<compile_context>
chip_gen: v7x
topology: tpu7x:2x2x1
jax: 0.10.2.dev20260603
libtpu: 0.0.44.dev20260713+nightly
codegen_flags: <defaults>
</compile_context>

<pallas_src>
import jax
import jax.numpy as jnp
from jax import lax
from jax.experimental import pallas as pl
from jax.experimental.pallas import tpu as pltpu
from jax.experimental.pallas import tpu_sc as plsc

N_IN = 100000
N_OUT = 256
D = N_OUT + 1
BATCH = 4096
MAX_ACTIVE = 32

NC = 2
NS = 16
NW = NC * NS
DPW = N_OUT // NW
CB = 256
NCH = BATCH // CB
RB = CB // 16
PB = BATCH // NW


def _ft_body(wT_hbm, fiT_hbm, out_hbm, out2_hbm, table_v, idx0, idx1,
             out_v, out_t, sem0, sem1):
    wid = lax.axis_index("s") * NC + lax.axis_index("c")

    def stage_idx(bc, buf, sem):
        pltpu.async_copy(fiT_hbm.at[:, pl.ds(bc * CB, CB)], buf, sem)

    def wait_idx(bc, buf, sem):
        pltpu.make_async_copy(
            fiT_hbm.at[:, pl.ds(bc * CB, CB)], buf, sem).wait()

    def accum_block(buf, col0, acc0):
        def j_body(j, acc):
            out = acc
            for u in range(4):
                a = buf[j * 4 + u, pl.ds(col0, 16)]
                out = out + plsc.load_gather(table_v, [a])
            return out
        return lax.fori_loop(0, MAX_ACTIVE // 4, j_body, acc0, unroll=False)

    zeros16 = jnp.zeros((16,), jnp.float32)

    def do_d(dslot, _):
        d = wid * DPW + dslot
        pltpu.sync_copy(wT_hbm.at[d], table_v)
        stage_idx(0, idx0, sem0)
        stage_idx(1, idx1, sem1)

        def chunk(bc, buf, sem):
            wait_idx(bc, buf, sem)

            def rb_body(rb, _):
                acc = accum_block(buf, rb * 16, zeros16)
                out_v[pl.ds(bc * CB + rb * 16, 16)] = acc
                return _

            lax.fori_loop(0, RB, rb_body, None, unroll=False)

            @pl.when(bc + 2 < NCH)
            def _():
                stage_idx(bc + 2, buf, sem)

        def pair(t, _):
            chunk(2 * t, idx0, sem0)
            chunk(2 * t + 1, idx1, sem1)
            return _

        lax.fori_loop(0, NCH // 2, pair, None, unroll=False)
        pltpu.sync_copy(out_v, out_hbm.at[d])
        return _

    lax.fori_loop(0, DPW, do_d, None, unroll=False)

    base = wid * PB
    d_tail = wid // NW + N_OUT
    pltpu.sync_copy(wT_hbm.at[d_tail], table_v)
    pltpu.sync_copy(fiT_hbm.at[:, pl.ds(base, PB)], idx0.at[:, pl.ds(0, PB)])

    def tail_rb(rb, _):
        acc = accum_block(idx0, rb * 16, zeros16)
        out_t[pl.ds(rb * 16, 16)] = acc
        return _

    lax.fori_loop(0, PB // 16, tail_rb, None, unroll=False)
    pltpu.sync_copy(out_t, out2_hbm.at[pl.ds(base, PB)])


@jax.jit
def _ft(weight, feature_indices, bias):
    wT = weight.T
    fiT = feature_indices.T
    full_bias = jnp.concatenate([jnp.zeros((1,), bias.dtype), bias])
    mesh = plsc.VectorSubcoreMesh(
        core_axis_name="c", subcore_axis_name="s", num_cores=NC,
        num_subcores=NS)
    run = pl.kernel(
        _ft_body,
        out_type=(jax.ShapeDtypeStruct((N_OUT, BATCH), jnp.float32),
                  jax.ShapeDtypeStruct((BATCH,), jnp.float32)),
        mesh=mesh,
        scratch_types=[
            pltpu.VMEM((N_IN,), jnp.float32),
            pltpu.VMEM((MAX_ACTIVE, CB), jnp.int32),
            pltpu.VMEM((MAX_ACTIVE, CB), jnp.int32),
            pltpu.VMEM((BATCH,), jnp.float32),
            pltpu.VMEM((PB,), jnp.float32),
            pltpu.SemaphoreType.DMA,
            pltpu.SemaphoreType.DMA,
        ],
        compiler_params=pltpu.CompilerParams(
            use_tc_tiling_on_sc=True, needs_layout_passes=False),
    )
    o2, otail = run(wT, fiT)
    out = jnp.concatenate([o2.T, otail[:, None]], axis=1)
    return out + full_bias[None, :]


def kernel(feature_indices, weight, bias):
    return _ft(weight, feature_indices, bias)

# --- scband reference (transcript-rebuilt; emitter-appended) ---
"""Pipeline reference for scband-feature-transformer-5909875000395 (READ-ONLY COPY).

The authoritative reference and input builder live on the scoring server;
editing this copy changes nothing except your own understanding.
"""

import jax, jax.numpy as jnp
import numpy as np

N_IN = 100000
N_OUT = 256
BATCH = 4096
MAX_ACTIVE = 32


def setup_inputs(seed: int = 0) -> dict:
    key = jax.random.key(seed)
    k1, k2, k3 = jax.random.split(key, 3)
    feature_indices = jax.random.randint(k1, (BATCH, MAX_ACTIVE), 0, N_IN, dtype=jnp.int32)
    # weight has n_out+1 columns: column 0 is the PSQT accumulator column,
    # columns 1..n_out are the feature-transformer slice weights.
    weight = (jax.random.normal(k2, (N_IN, N_OUT + 1), dtype=jnp.float32) * 0.01)
    bias = (jax.random.normal(k3, (N_OUT,), dtype=jnp.float32) * 0.01)
    return {"feature_indices": feature_indices, "weight": weight, "bias": bias}


def reference(feature_indices, weight, bias):
    # Faithful translation of the CUDA feature_transformer_slice_forward kernel:
    # for each row, sum weight rows for all active feature indices (padding = -1),
    # output[:, 0]  = sum of weight[idx, 0]            (psqt column, no bias)
    # output[:, 1:] = bias + sum of weight[idx, 1:]
    mask = (feature_indices != -1)
    safe_idx = jnp.where(mask, feature_indices, 0)
    gathered = jnp.take(weight, safe_idx, axis=0)            # [B, A, n_out+1]
    gathered = gathered * mask[..., None].astype(weight.dtype)
    summed = jnp.sum(gathered, axis=1)                        # [B, n_out+1]
    full_bias = jnp.concatenate([jnp.zeros((1,), dtype=bias.dtype), bias])
    return summed + full_bias[None, :]

if __name__ == "__main__":
    import jax
    _d = setup_inputs()
    print(jax.jit(kernel)(*tuple(_d.values())))

</pallas_src>

<mosaic_0001>
#map = affine_map<(d0, d1) -> (0, 0)>
#map1 = affine_map<(d0, d1) -> (0)>
module attributes {stable_mosaic.version = 14 : i64} {
  func.func @_ft_body(%arg0: i32, %arg1: i32, %arg2: memref<257x100000xf32, #tpu.memory_space<hbm>>, %arg3: memref<32x4096xi32, #tpu.memory_space<hbm>>, %arg4: memref<256x4096xf32, #tpu.memory_space<hbm>>, %arg5: memref<4096xf32, #tpu.memory_space<hbm>>, %arg6: memref<100000xf32, #tpu.memory_space<vmem>>, %arg7: memref<32x256xi32, #tpu.memory_space<vmem>>, %arg8: memref<32x256xi32, #tpu.memory_space<vmem>>, %arg9: memref<4096xf32, #tpu.memory_space<vmem>>, %arg10: memref<128xf32, #tpu.memory_space<vmem>>, %arg11: memref<!tpu.dma_semaphore, #tpu.memory_space<semaphore_mem>>, %arg12: memref<!tpu.dma_semaphore, #tpu.memory_space<semaphore_mem>>) attributes {dimension_semantics = [#tpu.dimension_semantics<core_parallel>, #tpu.dimension_semantics<subcore_parallel>], iteration_bounds = array<i64: 2, 16>, scalar_prefetch = 0 : i64, scratch_operands = 7 : i64, tpu.core_type = #tpu.core_type<sc_vector_subcore>, window_params = [{transform_indices = #map}, {transform_indices = #map}, {transform_indices = #map}, {transform_indices = #map1}]} {
    %mul3A = arith.constant 2 : i32
    %mul3A_0 = arith.muli %arg1, %mul3A : i32
    %add3A = arith.addi %mul3A_0, %arg0 : i32
    %broadcast_in_dim3A = arith.constant 0.000000e+00 : f32
    %broadcast_in_dim3A_1 = vector.broadcast %broadcast_in_dim3A : f32 to vector<16xf32>
    %scan3A = arith.constant 0 : i32
    %scan3A_2 = arith.constant 8 : i32
    %scan3A_3 = arith.addi %scan3A, %scan3A_2 : i32
    %scan3A_4 = arith.constant 1 : i32
    scf.for %scan3A_31 = %scan3A to %scan3A_3 step %scan3A_4  : i32 {
      %mul3A_32 = arith.constant 8 : i32
      %mul3A_33 = arith.muli %add3A, %mul3A_32 : i32
      %add3A_34 = arith.addi %mul3A_33, %scan3A_31 : i32
      "tpu.region"() ({
        %run_scoped3A = tpu.sem_alloc : memref<!tpu.dma_semaphore, #tpu.memory_space<semaphore_mem>>
        %dma_start3A_51 = arith.constant 0 : i32
        %dma_start3A_52 = tpu.memref_slice %arg2[%add3A_34, %dma_start3A_51] : memref<257x100000xf32, #tpu.memory_space<hbm>> -> memref<1x100000xf32, #tpu.memory_space<hbm>>
        %dma_start3A_53 = tpu.memref_squeeze %dma_start3A_52 : memref<1x100000xf32, #tpu.memory_space<hbm>> -> memref<100000xf32, #tpu.memory_space<hbm>>
        %dma_start3A_54 = arith.constant 0 : i32
        %dma_start3A_55 = tpu.memref_slice %arg2[%add3A_34, %dma_start3A_54] : memref<257x100000xf32, #tpu.memory_space<hbm>> -> memref<1x100000xf32, #tpu.memory_space<hbm>>
        %dma_start3A_56 = tpu.memref_squeeze %dma_start3A_55 : memref<1x100000xf32, #tpu.memory_space<hbm>> -> memref<100000xf32, #tpu.memory_space<hbm>>
        tpu.enqueue_dma source(%dma_start3A_56 : memref<100000xf32, #tpu.memory_space<hbm>>) target(%arg6 : memref<100000xf32, #tpu.memory_space<vmem>>) target_semaphore(%run_scoped3A : memref<!tpu.dma_semaphore, #tpu.memory_space<semaphore_mem>>)
        %dma_wait3A = arith.constant 0 : i32
        %dma_wait3A_57 = tpu.memref_slice %arg2[%add3A_34, %dma_wait3A] : memref<257x100000xf32, #tpu.memory_space<hbm>> -> memref<1x100000xf32, #tpu.memory_space<hbm>>
        %dma_wait3A_58 = tpu.memref_squeeze %dma_wait3A_57 : memref<1x100000xf32, #tpu.memory_space<hbm>> -> memref<100000xf32, #tpu.memory_space<hbm>>
        %dma_wait3A_59 = arith.constant 0 : i32
        %dma_wait3A_60 = tpu.memref_slice %arg2[%add3A_34, %dma_wait3A_59] : memref<257x100000xf32, #tpu.memory_space<hbm>> -> memref<1x100000xf32, #tpu.memory_space<hbm>>
        %dma_wait3A_61 = tpu.memref_squeeze %dma_wait3A_60 : memref<1x100000xf32, #tpu.memory_space<hbm>> -> memref<100000xf32, #tpu.memory_space<hbm>>
        tpu.wait_dma2 semaphore(%run_scoped3A : memref<!tpu.dma_semaphore, #tpu.memory_space<semaphore_mem>>) src(%dma_wait3A_61 : memref<100000xf32, #tpu.memory_space<hbm>>) dst(%arg6 : memref<100000xf32, #tpu.memory_space<vmem>>)
        tpu.yield
      }) : () -> ()
      %dma_start3A = arith.constant 0 : i32
      %dma_start3A_35 = arith.constant 0 : i32
      %dma_start3A_36 = tpu.memref_slice %arg3[%dma_start3A, %dma_start3A_35] : memref<32x4096xi32, #tpu.memory_space<hbm>> -> memref<32x256xi32, #tpu.memory_space<hbm>>
      %dma_start3A_37 = arith.constant 0 : i32
      %dma_start3A_38 = arith.constant 0 : i32
      %dma_start3A_39 = tpu.memref_slice %arg3[%dma_start3A_37, %dma_start3A_38] : memref<32x4096xi32, #tpu.memory_space<hbm>> -> memref<32x256xi32, #tpu.memory_space<hbm>>
      tpu.enqueue_dma source(%dma_start3A_39 : memref<32x256xi32, #tpu.memory_space<hbm>>) target(%arg7 : memref<32x256xi32, #tpu.memory_space<vmem>>) target_semaphore(%arg11 : memref<!tpu.dma_semaphore, #tpu.memory_space<semaphore_mem>>)
      %dma_start3A_40 = arith.constant 0 : i32
      %dma_start3A_41 = arith.constant 256 : i32
      %dma_start3A_42 = tpu.memref_slice %arg3[%dma_start3A_40, %dma_start3A_41] : memref<32x4096xi32, #tpu.memory_space<hbm>> -> memref<32x256xi32, #tpu.memory_space<hbm>>
      %dma_start3A_43 = arith.constant 0 : i32
      %dma_start3A_44 = arith.constant 256 : i32
      %dma_start3A_45 = tpu.memref_slice %arg3[%dma_start3A_43, %dma_start3A_44] : memref<32x4096xi32, #tpu.memory_space<hbm>> -> memref<32x256xi32, #tpu.memory_space<hbm>>
      tpu.enqueue_dma source(%dma_start3A_45 : memref<32x256xi32, #tpu.memory_space<hbm>>) target(%arg8 : memref<32x256xi32, #tpu.memory_space<vmem>>) target_semaphore(%arg12 : memref<!tpu.dma_semaphore, #tpu.memory_space<semaphore_mem>>)
      %scan3A_46 = arith.constant 0 : i32
      %scan3A_47 = arith.constant 8 : i32
      %scan3A_48 = arith.addi %scan3A_46, %scan3A_47 : i32
      %scan3A_49 = arith.constant 1 : i32
      scf.for %scan3A_51 = %scan3A_46 to %scan3A_48 step %scan3A_49  : i32 {
        %mul3A_52 = arith.constant 2 : i32
        %mul3A_53 = arith.muli %mul3A_52, %scan3A_51 : i32
        %mul3A_54 = arith.constant 256 : i32
        %mul3A_55 = arith.muli %mul3A_53, %mul3A_54 : i32
        %dma_wait3A = arith.constant 0 : i32
        %dma_wait3A_56 = tpu.memref_slice %arg3[%dma_wait3A, %mul3A_55] : memref<32x4096xi32, #tpu.memory_space<hbm>> -> memref<32x256xi32, #tpu.memory_space<hbm>>
        %dma_wait3A_57 = arith.constant 0 : i32
        %dma_wait3A_58 = tpu.memref_slice %arg3[%dma_wait3A_57, %mul3A_55] : memref<32x4096xi32, #tpu.memory_space<hbm>> -> memref<32x256xi32, #tpu.memory_space<hbm>>
        tpu.wait_dma2 semaphore(%arg11 : memref<!tpu.dma_semaphore, #tpu.memory_space<semaphore_mem>>) src(%dma_wait3A_58 : memref<32x256xi32, #tpu.memory_space<hbm>>) dst(%arg7 : memref<32x256xi32, #tpu.memory_space<vmem>>)
        %scan3A_59 = arith.constant 0 : i32
        %scan3A_60 = arith.constant 16 : i32
        %scan3A_61 = arith.addi %scan3A_59, %scan3A_60 : i32
        %scan3A_62 = arith.constant 1 : i32
        scf.for %scan3A_90 = %scan3A_59 to %scan3A_61 step %scan3A_62  : i32 {
          %mul3A_91 = arith.constant 16 : i32
          %mul3A_92 = arith.muli %scan3A_90, %mul3A_91 : i32
          %scan3A_93 = arith.constant 0 : i32
          %scan3A_94 = arith.constant 8 : i32
          %scan3A_95 = arith.addi %scan3A_93, %scan3A_94 : i32
          %scan3A_96 = arith.constant 1 : i32
          %scan3A_97 = scf.for %scan3A_105 = %scan3A_93 to %scan3A_95 step %scan3A_96 iter_args(%scan3A_106 = %broadcast_in_dim3A_1) -> (vector<16xf32>)  : i32 {
            %mul3A_107 = arith.constant 4 : i32
            %mul3A_108 = arith.muli %scan3A_105, %mul3A_107 : i32
            %add3A_109 = arith.constant 0 : i32
            %add3A_110 = arith.addi %mul3A_108, %add3A_109 : i32
            %get3A = arith.index_cast %add3A_110 : i32 to index
            %get3A_111 = arith.index_cast %mul3A_92 : i32 to index
            %get3A_112 = tpu.vector_load %arg7[%get3A, %get3A_111] {strides = array<i32>} : memref<32x256xi32, #tpu.memory_space<vmem>>, vector<16xi32>,
            %gather3A = tpu.vector_load_idx %arg6[%get3A_112] : memref<100000xf32, #tpu.memory_space<vmem>>[vector<16xi32>], vector<16xf32>,
            %add3A_113 = arith.addf %scan3A_106, %gather3A : vector<16xf32>
            %mul3A_114 = arith.constant 4 : i32
            %mul3A_115 = arith.muli %scan3A_105, %mul3A_114 : i32
            %add3A_116 = arith.constant 1 : i32
            %add3A_117 = arith.addi %mul3A_115, %add3A_116 : i32
            %get3A_118 = arith.index_cast %add3A_117 : i32 to index
            %get3A_119 = arith.index_cast %mul3A_92 : i32 to index
            %get3A_120 = tpu.vector_load %arg7[%get3A_118, %get3A_119] {strides = array<i32>} : memref<32x256xi32, #tpu.memory_space<vmem>>, vector<16xi32>,
            %gather3A_121 = tpu.vector_load_idx %arg6[%get3A_120] : memref<100000xf32, #tpu.memory_space<vmem>>[vector<16xi32>], vector<16xf32>,
            %add3A_122 = arith.addf %add3A_113, %gather3A_121 : vector<16xf32>
            %mul3A_123 = arith.constant 4 : i32
            %mul3A_124 = arith.muli %scan3A_105, %mul3A_123 : i32
            %add3A_125 = arith.constant 2 : i32
            %add3A_126 = arith.addi %mul3A_124, %add3A_125 : i32
            %get3A_127 = arith.index_cast %add3A_126 : i32 to index
            %get3A_128 = arith.index_cast %mul3A_92 : i32 to index
            %get3A_129 = tpu.vector_load %arg7[%get3A_127, %get3A_128] {strides = array<i32>} : memref<32x256xi32, #tpu.memory_space<vmem>>, vector<16xi32>,
            %gather3A_130 = tpu.vector_load_idx %arg6[%get3A_129] : memref<100000xf32, #tpu.memory_space<vmem>>[vector<16xi32>], vector<16xf32>,
            %add3A_131 = arith.addf %add3A_122, %gather3A_130 : vector<16xf32>
            %mul3A_132 = arith.constant 4 : i32
            %mul3A_133 = arith.muli %scan3A_105, %mul3A_132 : i32
            %add3A_134 = arith.constant 3 : i32
            %add3A_135 = arith.addi %mul3A_133, %add3A_134 : i32
            %get3A_136 = arith.index_cast %add3A_135 : i32 to index
            %get3A_137 = arith.index_cast %mul3A_92 : i32 to index
            %get3A_138 = tpu.vector_load %arg7[%get3A_136, %get3A_137] {strides = array<i32>} : memref<32x256xi32, #tpu.memory_space<vmem>>, vector<16xi32>,
            %gather3A_139 = tpu.vector_load_idx %arg6[%get3A_138] : memref<100000xf32, #tpu.memory_space<vmem>>[vector<16xi32>], vector<16xf32>,
            %add3A_140 = arith.addf %add3A_131, %gather3A_139 : vector<16xf32>
            scf.yield %add3A_140 : vector<16xf32>
          }
          %scan3A_98 = arith.constant 8 : i32
          %mul3A_99 = arith.constant 256 : i32
          %mul3A_100 = arith.muli %mul3A_53, %mul3A_99 : i32
          %mul3A_101 = arith.constant 16 : i32
          %mul3A_102 = arith.muli %scan3A_90, %mul3A_101 : i32
          %add3A_103 = arith.addi %mul3A_100, %mul3A_102 : i32
          %swap3A = arith.index_cast %add3A_103 : i32 to index
          %swap3A_104 = tpu.vector_load %arg9[%swap3A] {strides = array<i32>} : memref<4096xf32, #tpu.memory_space<vmem>>, vector<16xf32>,
          tpu.vector_store %arg9[%swap3A], %scan3A_97 {strides = array<i32>} : memref<4096xf32, #tpu.memory_space<vmem>>, vector<16xf32>,
        }
        %scan3A_63 = arith.constant 16 : i32
        %add3A_64 = arith.constant 2 : i32
        %add3A_65 = arith.addi %mul3A_53, %add3A_64 : i32
        %lt3A = arith.constant 16 : i32
        %lt3A_66 = arith.cmpi slt, %add3A_65, %lt3A : i32
        %convert_element_type3A = arith.extui %lt3A_66 : i1 to i32
        %cond3A = arith.constant 0 : i32
        %cond3A_67 = arith.cmpi ne, %convert_element_type3A, %cond3A : i32
        scf.if %cond3A_67 {
          %add3A_90 = arith.constant 2 : i32
          %add3A_91 = arith.addi %mul3A_53, %add3A_90 : i32
          %mul3A_92 = arith.constant 256 : i32
          %mul3A_93 = arith.muli %add3A_91, %mul3A_92 : i32
          %dma_start3A_94 = arith.constant 0 : i32
          %dma_start3A_95 = tpu.memref_slice %arg3[%dma_start3A_94, %mul3A_93] : memref<32x4096xi32, #tpu.memory_space<hbm>> -> memref<32x256xi32, #tpu.memory_space<hbm>>
          %dma_start3A_96 = arith.constant 0 : i32
          %dma_start3A_97 = tpu.memref_slice %arg3[%dma_start3A_96, %mul3A_93] : memref<32x4096xi32, #tpu.memory_space<hbm>> -> memref<32x256xi32, #tpu.memory_space<hbm>>
          tpu.enqueue_dma source(%dma_start3A_97 : memref<32x256xi32, #tpu.memory_space<hbm>>) target(%arg7 : memref<32x256xi32, #tpu.memory_space<vmem>>) target_semaphore(%arg11 : memref<!tpu.dma_semaphore, #tpu.memory_space<semaphore_mem>>)
        } else {
        }
        %mul3A_68 = arith.constant 2 : i32
        %mul3A_69 = arith.muli %mul3A_68, %scan3A_51 : i32
        %add3A_70 = arith.constant 1 : i32
        %add3A_71 = arith.addi %mul3A_69, %add3A_70 : i32
        %mul3A_72 = arith.constant 256 : i32
        %mul3A_73 = arith.muli %add3A_71, %mul3A_72 : i32
        %dma_wait3A_74 = arith.constant 0 : i32
        %dma_wait3A_75 = tpu.memref_slice %arg3[%dma_wait3A_74, %mul3A_73] : memref<32x4096xi32, #tpu.memory_space<hbm>> -> memref<32x256xi32, #tpu.memory_space<hbm>>
        %dma_wait3A_76 = arith.constant 0 : i32
        %dma_wait3A_77 = tpu.memref_slice %arg3[%dma_wait3A_76, %mul3A_73] : memref<32x4096xi32, #tpu.memory_space<hbm>> -> memref<32x256xi32, #tpu.memory_space<hbm>>
        tpu.wait_dma2 semaphore(%arg12 : memref<!tpu.dma_semaphore, #tpu.memory_space<semaphore_mem>>) src(%dma_wait3A_77 : memref<32x256xi32, #tpu.memory_space<hbm>>) dst(%arg8 : memref<32x256xi32, #tpu.memory_space<vmem>>)
        %scan3A_78 = arith.constant 0 : i32
        %scan3A_79 = arith.constant 16 : i32
        %scan3A_80 = arith.addi %scan3A_78, %scan3A_79 : i32
        %scan3A_81 = arith.constant 1 : i32
        scf.for %scan3A_90 = %scan3A_78 to %scan3A_80 step %scan3A_81  : i32 {
          %mul3A_91 = arith.constant 16 : i32
          %mul3A_92 = arith.muli %scan3A_90, %mul3A_91 : i32
          %scan3A_93 = arith.constant 0 : i32
          %scan3A_94 = arith.constant 8 : i32
          %scan3A_95 = arith.addi %scan3A_93, %scan3A_94 : i32
          %scan3A_96 = arith.constant 1 : i32
          %scan3A_97 = scf.for %scan3A_105 = %scan3A_93 to %scan3A_95 step %scan3A_96 iter_args(%scan3A_106 = %broadcast_in_dim3A_1) -> (vector<16xf32>)  : i32 {
            %mul3A_107 = arith.constant 4 : i32
            %mul3A_108 = arith.muli %scan3A_105, %mul3A_107 : i32
            %add3A_109 = arith.constant 0 : i32
            %add3A_110 = arith.addi %mul3A_108, %add3A_109 : i32
            %get3A = arith.index_cast %add3A_110 : i32 to index
            %get3A_111 = arith.index_cast %mul3A_92 : i32 to index
            %get3A_112 = tpu.vector_load %arg8[%get3A, %get3A_111] {strides = array<i32>} : memref<32x256xi32, #tpu.memory_space<vmem>>, vector<16xi32>,
            %gather3A = tpu.vector_load_idx %arg6[%get3A_112] : memref<100000xf32, #tpu.memory_space<vmem>>[vector<16xi32>], vector<16xf32>,
            %add3A_113 = arith.addf %scan3A_106, %gather3A : vector<16xf32>
            %mul3A_114 = arith.constant 4 : i32
            %mul3A_115 = arith.muli %scan3A_105, %mul3A_114 : i32
            %add3A_116 = arith.constant 1 : i32
            %add3A_117 = arith.addi %mul3A_115, %add3A_116 : i32
            %get3A_118 = arith.index_cast %add3A_117 : i32 to index
            %get3A_119 = arith.index_cast %mul3A_92 : i32 to index
            %get3A_120 = tpu.vector_load %arg8[%get3A_118, %get3A_119] {strides = array<i32>} : memref<32x256xi32, #tpu.memory_space<vmem>>, vector<16xi32>,
            %gather3A_121 = tpu.vector_load_idx %arg6[%get3A_120] : memref<100000xf32, #tpu.memory_space<vmem>>[vector<16xi32>], vector<16xf32>,
            %add3A_122 = arith.addf %add3A_113, %gather3A_121 : vector<16xf32>
            %mul3A_123 = arith.constant 4 : i32
            %mul3A_124 = arith.muli %scan3A_105, %mul3A_123 : i32
            %add3A_125 = arith.constant 2 : i32
            %add3A_126 = arith.addi %mul3A_124, %add3A_125 : i32
            %get3A_127 = arith.index_cast %add3A_126 : i32 to index
            %get3A_128 = arith.index_cast %mul3A_92 : i32 to index
            %get3A_129 = tpu.vector_load %arg8[%get3A_127, %get3A_128] {strides = array<i32>} : memref<32x256xi32, #tpu.memory_space<vmem>>, vector<16xi32>,
            %gather3A_130 = tpu.vector_load_idx %arg6[%get3A_129] : memref<100000xf32, #tpu.memory_space<vmem>>[vector<16xi32>], vector<16xf32>,
            %add3A_131 = arith.addf %add3A_122, %gather3A_130 : vector<16xf32>
            %mul3A_132 = arith.constant 4 : i32
            %mul3A_133 = arith.muli %scan3A_105, %mul3A_132 : i32
            %add3A_134 = arith.constant 3 : i32
            %add3A_135 = arith.addi %mul3A_133, %add3A_134 : i32
            %get3A_136 = arith.index_cast %add3A_135 : i32 to index
            %get3A_137 = arith.index_cast %mul3A_92 : i32 to index
            %get3A_138 = tpu.vector_load %arg8[%get3A_136, %get3A_137] {strides = array<i32>} : memref<32x256xi32, #tpu.memory_space<vmem>>, vector<16xi32>,
            %gather3A_139 = tpu.vector_load_idx %arg6[%get3A_138] : memref<100000xf32, #tpu.memory_space<vmem>>[vector<16xi32>], vector<16xf32>,
            %add3A_140 = arith.addf %add3A_131, %gather3A_139 : vector<16xf32>
            scf.yield %add3A_140 : vector<16xf32>
          }
          %scan3A_98 = arith.constant 8 : i32
          %mul3A_99 = arith.constant 256 : i32
          %mul3A_100 = arith.muli %add3A_71, %mul3A_99 : i32
          %mul3A_101 = arith.constant 16 : i32
          %mul3A_102 = arith.muli %scan3A_90, %mul3A_101 : i32
          %add3A_103 = arith.addi %mul3A_100, %mul3A_102 : i32
          %swap3A = arith.index_cast %add3A_103 : i32 to index
          %swap3A_104 = tpu.vector_load %arg9[%swap3A] {strides = array<i32>} : memref<4096xf32, #tpu.memory_space<vmem>>, vector<16xf32>,
          tpu.vector_store %arg9[%swap3A], %scan3A_97 {strides = array<i32>} : memref<4096xf32, #tpu.memory_space<vmem>>, vector<16xf32>,
        }
        %scan3A_82 = arith.constant 16 : i32
        %add3A_83 = arith.constant 2 : i32
        %add3A_84 = arith.addi %add3A_71, %add3A_83 : i32
        %lt3A_85 = arith.constant 16 : i32
        %lt3A_86 = arith.cmpi slt, %add3A_84, %lt3A_85 : i32
        %convert_element_type3A_87 = arith.extui %lt3A_86 : i1 to i32
        %cond3A_88 = arith.constant 0 : i32
        %cond3A_89 = arith.cmpi ne, %convert_element_type3A_87, %cond3A_88 : i32
        scf.if %cond3A_89 {
          %add3A_90 = arith.constant 2 : i32
          %add3A_91 = arith.addi %add3A_71, %add3A_90 : i32
          %mul3A_92 = arith.constant 256 : i32
          %mul3A_93 = arith.muli %add3A_91, %mul3A_92 : i32
          %dma_start3A_94 = arith.constant 0 : i32
          %dma_start3A_95 = tpu.memref_slice %arg3[%dma_start3A_94, %mul3A_93] : memref<32x4096xi32, #tpu.memory_space<hbm>> -> memref<32x256xi32, #tpu.memory_space<hbm>>
          %dma_start3A_96 = arith.constant 0 : i32
          %dma_start3A_97 = tpu.memref_slice %arg3[%dma_start3A_96, %mul3A_93] : memref<32x4096xi32, #tpu.memory_space<hbm>> -> memref<32x256xi32, #tpu.memory_space<hbm>>
          tpu.enqueue_dma source(%dma_start3A_97 : memref<32x256xi32, #tpu.memory_space<hbm>>) target(%arg8 : memref<32x256xi32, #tpu.memory_space<vmem>>) target_semaphore(%arg12 : memref<!tpu.dma_semaphore, #tpu.memory_space<semaphore_mem>>)
        } else {
        }
      }
      %scan3A_50 = arith.constant 8 : i32
      "tpu.region"() ({
        %run_scoped3A = tpu.sem_alloc : memref<!tpu.dma_semaphore, #tpu.memory_space<semaphore_mem>>
        %dma_start3A_51 = arith.constant 0 : i32
        %dma_start3A_52 = tpu.memref_slice %arg4[%add3A_34, %dma_start3A_51] : memref<256x4096xf32, #tpu.memory_space<hbm>> -> memref<1x4096xf32, #tpu.memory_space<hbm>>
        %dma_start3A_53 = tpu.memref_squeeze %dma_start3A_52 : memref<1x4096xf32, #tpu.memory_space<hbm>> -> memref<4096xf32, #tpu.memory_space<hbm>>
        %dma_start3A_54 = arith.constant 0 : i32
        %dma_start3A_55 = tpu.memref_slice %arg4[%add3A_34, %dma_start3A_54] : memref<256x4096xf32, #tpu.memory_space<hbm>> -> memref<1x4096xf32, #tpu.memory_space<hbm>>
        %dma_start3A_56 = tpu.memref_squeeze %dma_start3A_55 : memref<1x4096xf32, #tpu.memory_space<hbm>> -> memref<4096xf32, #tpu.memory_space<hbm>>
        tpu.enqueue_dma source(%arg9 : memref<4096xf32, #tpu.memory_space<vmem>>) target(%dma_start3A_56 : memref<4096xf32, #tpu.memory_space<hbm>>) target_semaphore(%run_scoped3A : memref<!tpu.dma_semaphore, #tpu.memory_space<semaphore_mem>>)
        %dma_wait3A = arith.constant 0 : i32
        %dma_wait3A_57 = tpu.memref_slice %arg4[%add3A_34, %dma_wait3A] : memref<256x4096xf32, #tpu.memory_space<hbm>> -> memref<1x4096xf32, #tpu.memory_space<hbm>>
        %dma_wait3A_58 = tpu.memref_squeeze %dma_wait3A_57 : memref<1x4096xf32, #tpu.memory_space<hbm>> -> memref<4096xf32, #tpu.memory_space<hbm>>
        %dma_wait3A_59 = arith.constant 0 : i32
        %dma_wait3A_60 = tpu.memref_slice %arg4[%add3A_34, %dma_wait3A_59] : memref<256x4096xf32, #tpu.memory_space<hbm>> -> memref<1x4096xf32, #tpu.memory_space<hbm>>
        %dma_wait3A_61 = tpu.memref_squeeze %dma_wait3A_60 : memref<1x4096xf32, #tpu.memory_space<hbm>> -> memref<4096xf32, #tpu.memory_space<hbm>>
        tpu.wait_dma2 semaphore(%run_scoped3A : memref<!tpu.dma_semaphore, #tpu.memory_space<semaphore_mem>>) src(%arg9 : memref<4096xf32, #tpu.memory_space<vmem>>) dst(%dma_wait3A_61 : memref<4096xf32, #tpu.memory_space<hbm>>)
        tpu.yield
      }) : () -> ()
    }
    %scan3A_5 = arith.constant 8 : i32
    %mul3A_6 = arith.constant 128 : i32
    %mul3A_7 = arith.muli %add3A, %mul3A_6 : i32
    %jit3A = arith.constant 32 : i32
    %div3A = arith.divsi %add3A, %jit3A : i32
    %sign3A = arith.constant 0 : i32
    %sign3A_8 = arith.cmpi sgt, %add3A, %sign3A : i32
    %sign3A_9 = arith.extui %sign3A_8 : i1 to i32
    %sign3A_10 = arith.constant 0 : i32
    %sign3A_11 = arith.cmpi slt, %add3A, %sign3A_10 : i32
    %sign3A_12 = arith.extui %sign3A_11 : i1 to i32
    %sign3A_13 = arith.subi %sign3A_9, %sign3A_12 : i32
    %sign3A_14 = arith.constant 0 : i32
    %sign3A_15 = arith.cmpi sgt, %jit3A, %sign3A_14 : i32
    %sign3A_16 = arith.extui %sign3A_15 : i1 to i32
    %sign3A_17 = arith.constant 0 : i32
    %sign3A_18 = arith.cmpi slt, %jit3A, %sign3A_17 : i32
    %sign3A_19 = arith.extui %sign3A_18 : i1 to i32
    %sign3A_20 = arith.subi %sign3A_16, %sign3A_19 : i32
    %ne3A = arith.cmpi ne, %sign3A_13, %sign3A_20 : i32
    %rem3A = arith.remsi %add3A, %jit3A : i32
    %ne3A_21 = arith.constant 0 : i32
    %ne3A_22 = arith.cmpi ne, %rem3A, %ne3A_21 : i32
    %and3A = arith.andi %ne3A, %ne3A_22 : i1
    %sub3A = arith.constant 1 : i32
    %sub3A_23 = arith.subi %div3A, %sub3A : i32
    %select_n3A = arith.select %and3A, %sub3A_23, %div3A : i32
    %add3A_24 = arith.constant 256 : i32
    %add3A_25 = arith.addi %select_n3A, %add3A_24 : i32
    "tpu.region"() ({
      %run_scoped3A = tpu.sem_alloc : memref<!tpu.dma_semaphore, #tpu.memory_space<semaphore_mem>>
      %dma_start3A = arith.constant 0 : i32
      %dma_start3A_31 = tpu.memref_slice %arg2[%add3A_25, %dma_start3A] : memref<257x100000xf32, #tpu.memory_space<hbm>> -> memref<1x100000xf32, #tpu.memory_space<hbm>>
      %dma_start3A_32 = tpu.memref_squeeze %dma_start3A_31 : memref<1x100000xf32, #tpu.memory_space<hbm>> -> memref<100000xf32, #tpu.memory_space<hbm>>
      %dma_start3A_33 = arith.constant 0 : i32
      %dma_start3A_34 = tpu.memref_slice %arg2[%add3A_25, %dma_start3A_33] : memref<257x100000xf32, #tpu.memory_space<hbm>> -> memref<1x100000xf32, #tpu.memory_space<hbm>>
      %dma_start3A_35 = tpu.memref_squeeze %dma_start3A_34 : memref<1x100000xf32, #tpu.memory_space<hbm>> -> memref<100000xf32, #tpu.memory_space<hbm>>
      tpu.enqueue_dma source(%dma_start3A_35 : memref<100000xf32, #tpu.memory_space<hbm>>) target(%arg6 : memref<100000xf32, #tpu.memory_space<vmem>>) target_semaphore(%run_scoped3A : memref<!tpu.dma_semaphore, #tpu.memory_space<semaphore_mem>>)
      %dma_wait3A = arith.constant 0 : i32
      %dma_wait3A_36 = tpu.memref_slice %arg2[%add3A_25, %dma_wait3A] : memref<257x100000xf32, #tpu.memory_space<hbm>> -> memref<1x100000xf32, #tpu.memory_space<hbm>>
      %dma_wait3A_37 = tpu.memref_squeeze %dma_wait3A_36 : memref<1x100000xf32, #tpu.memory_space<hbm>> -> memref<100000xf32, #tpu.memory_space<hbm>>
      %dma_wait3A_38 = arith.constant 0 : i32
      %dma_wait3A_39 = tpu.memref_slice %arg2[%add3A_25, %dma_wait3A_38] : memref<257x100000xf32, #tpu.memory_space<hbm>> -> memref<1x100000xf32, #tpu.memory_space<hbm>>
      %dma_wait3A_40 = tpu.memref_squeeze %dma_wait3A_39 : memref<1x100000xf32, #tpu.memory_space<hbm>> -> memref<100000xf32, #tpu.memory_space<hbm>>
      tpu.wait_dma2 semaphore(%run_scoped3A : memref<!tpu.dma_semaphore, #tpu.memory_space<semaphore_mem>>) src(%dma_wait3A_40 : memref<100000xf32, #tpu.memory_space<hbm>>) dst(%arg6 : memref<100000xf32, #tpu.memory_space<vmem>>)
      tpu.yield
    }) : () -> ()
    "tpu.region"() ({
      %run_scoped3A = tpu.sem_alloc : memref<!tpu.dma_semaphore, #tpu.memory_space<semaphore_mem>>
      %dma_start3A = arith.constant 0 : i32
      %dma_start3A_31 = arith.constant 0 : i32
      %dma_start3A_32 = tpu.memref_slice %arg7[%dma_start3A, %dma_start3A_31] : memref<32x256xi32, #tpu.memory_space<vmem>> -> memref<32x128xi32, #tpu.memory_space<vmem>>
      %dma_start3A_33 = arith.constant 0 : i32
      %dma_start3A_34 = tpu.memref_slice %arg3[%dma_start3A_33, %mul3A_7] : memref<32x4096xi32, #tpu.memory_space<hbm>> -> memref<32x128xi32, #tpu.memory_space<hbm>>
      %dma_start3A_35 = arith.constant 0 : i32
      %dma_start3A_36 = arith.constant 0 : i32
      %dma_start3A_37 = tpu.memref_slice %arg7[%dma_start3A_35, %dma_start3A_36] : memref<32x256xi32, #tpu.memory_space<vmem>> -> memref<32x128xi32, #tpu.memory_space<vmem>>
      %dma_start3A_38 = arith.constant 0 : i32
      %dma_start3A_39 = tpu.memref_slice %arg3[%dma_start3A_38, %mul3A_7] : memref<32x4096xi32, #tpu.memory_space<hbm>> -> memref<32x128xi32, #tpu.memory_space<hbm>>
      tpu.enqueue_dma source(%dma_start3A_39 : memref<32x128xi32, #tpu.memory_space<hbm>>) target(%dma_start3A_37 : memref<32x128xi32, #tpu.memory_space<vmem>>) target_semaphore(%run_scoped3A : memref<!tpu.dma_semaphore, #tpu.memory_space<semaphore_mem>>)
      %dma_wait3A = arith.constant 0 : i32
      %dma_wait3A_40 = arith.constant 0 : i32
      %dma_wait3A_41 = tpu.memref_slice %arg7[%dma_wait3A, %dma_wait3A_40] : memref<32x256xi32, #tpu.memory_space<vmem>> -> memref<32x128xi32, #tpu.memory_space<vmem>>
      %dma_wait3A_42 = arith.constant 0 : i32
      %dma_wait3A_43 = tpu.memref_slice %arg3[%dma_wait3A_42, %mul3A_7] : memref<32x4096xi32, #tpu.memory_space<hbm>> -> memref<32x128xi32, #tpu.memory_space<hbm>>
      %dma_wait3A_44 = arith.constant 0 : i32
      %dma_wait3A_45 = arith.constant 0 : i32
      %dma_wait3A_46 = tpu.memref_slice %arg7[%dma_wait3A_44, %dma_wait3A_45] : memref<32x256xi32, #tpu.memory_space<vmem>> -> memref<32x128xi32, #tpu.memory_space<vmem>>
      %dma_wait3A_47 = arith.constant 0 : i32
      %dma_wait3A_48 = tpu.memref_slice %arg3[%dma_wait3A_47, %mul3A_7] : memref<32x4096xi32, #tpu.memory_space<hbm>> -> memref<32x128xi32, #tpu.memory_space<hbm>>
      tpu.wait_dma2 semaphore(%run_scoped3A : memref<!tpu.dma_semaphore, #tpu.memory_space<semaphore_mem>>) src(%dma_wait3A_48 : memref<32x128xi32, #tpu.memory_space<hbm>>) dst(%dma_wait3A_46 : memref<32x128xi32, #tpu.memory_space<vmem>>)
      tpu.yield
    }) : () -> ()
    %scan3A_26 = arith.constant 0 : i32
    %scan3A_27 = arith.constant 8 : i32
    %scan3A_28 = arith.addi %scan3A_26, %scan3A_27 : i32
    %scan3A_29 = arith.constant 1 : i32
    scf.for %scan3A_31 = %scan3A_26 to %scan3A_28 step %scan3A_29  : i32 {
      %mul3A_32 = arith.constant 16 : i32
      %mul3A_33 = arith.muli %scan3A_31, %mul3A_32 : i32
      %scan3A_34 = arith.constant 0 : i32
      %scan3A_35 = arith.constant 8 : i32
      %scan3A_36 = arith.addi %scan3A_34, %scan3A_35 : i32
      %scan3A_37 = arith.constant 1 : i32
      %scan3A_38 = scf.for %scan3A_43 = %scan3A_34 to %scan3A_36 step %scan3A_37 iter_args(%scan3A_44 = %broadcast_in_dim3A_1) -> (vector<16xf32>)  : i32 {
        %mul3A_45 = arith.constant 4 : i32
        %mul3A_46 = arith.muli %scan3A_43, %mul3A_45 : i32
        %add3A_47 = arith.constant 0 : i32
        %add3A_48 = arith.addi %mul3A_46, %add3A_47 : i32
        %get3A = arith.index_cast %add3A_48 : i32 to index
        %get3A_49 = arith.index_cast %mul3A_33 : i32 to index
        %get3A_50 = tpu.vector_load %arg7[%get3A, %get3A_49] {strides = array<i32>} : memref<32x256xi32, #tpu.memory_space<vmem>>, vector<16xi32>,
        %gather3A = tpu.vector_load_idx %arg6[%get3A_50] : memref<100000xf32, #tpu.memory_space<vmem>>[vector<16xi32>], vector<16xf32>,
        %add3A_51 = arith.addf %scan3A_44, %gather3A : vector<16xf32>
        %mul3A_52 = arith.constant 4 : i32
        %mul3A_53 = arith.muli %scan3A_43, %mul3A_52 : i32
        %add3A_54 = arith.constant 1 : i32
        %add3A_55 = arith.addi %mul3A_53, %add3A_54 : i32
        %get3A_56 = arith.index_cast %add3A_55 : i32 to index
        %get3A_57 = arith.index_cast %mul3A_33 : i32 to index
        %get3A_58 = tpu.vector_load %arg7[%get3A_56, %get3A_57] {strides = array<i32>} : memref<32x256xi32, #tpu.memory_space<vmem>>, vector<16xi32>,
        %gather3A_59 = tpu.vector_load_idx %arg6[%get3A_58] : memref<100000xf32, #tpu.memory_space<vmem>>[vector<16xi32>], vector<16xf32>,
        %add3A_60 = arith.addf %add3A_51, %gather3A_59 : vector<16xf32>
        %mul3A_61 = arith.constant 4 : i32
        %mul3A_62 = arith.muli %scan3A_43, %mul3A_61 : i32
        %add3A_63 = arith.constant 2 : i32
        %add3A_64 = arith.addi %mul3A_62, %add3A_63 : i32
        %get3A_65 = arith.index_cast %add3A_64 : i32 to index
        %get3A_66 = arith.index_cast %mul3A_33 : i32 to index
        %get3A_67 = tpu.vector_load %arg7[%get3A_65, %get3A_66] {strides = array<i32>} : memref<32x256xi32, #tpu.memory_space<vmem>>, vector<16xi32>,
        %gather3A_68 = tpu.vector_load_idx %arg6[%get3A_67] : memref<100000xf32, #tpu.memory_space<vmem>>[vector<16xi32>], vector<16xf32>,
        %add3A_69 = arith.addf %add3A_60, %gather3A_68 : vector<16xf32>
        %mul3A_70 = arith.constant 4 : i32
        %mul3A_71 = arith.muli %scan3A_43, %mul3A_70 : i32
        %add3A_72 = arith.constant 3 : i32
        %add3A_73 = arith.addi %mul3A_71, %add3A_72 : i32
        %get3A_74 = arith.index_cast %add3A_73 : i32 to index
        %get3A_75 = arith.index_cast %mul3A_33 : i32 to index
        %get3A_76 = tpu.vector_load %arg7[%get3A_74, %get3A_75] {strides = array<i32>} : memref<32x256xi32, #tpu.memory_space<vmem>>, vector<16xi32>,
        %gather3A_77 = tpu.vector_load_idx %arg6[%get3A_76] : memref<100000xf32, #tpu.memory_space<vmem>>[vector<16xi32>], vector<16xf32>,
        %add3A_78 = arith.addf %add3A_69, %gather3A_77 : vector<16xf32>
        scf.yield %add3A_78 : vector<16xf32>
      }
      %scan3A_39 = arith.constant 8 : i32
      %mul3A_40 = arith.constant 16 : i32
      %mul3A_41 = arith.muli %scan3A_31, %mul3A_40 : i32
      %swap3A = arith.index_cast %mul3A_41 : i32 to index
      %swap3A_42 = tpu.vector_load %arg10[%swap3A] {strides = array<i32>} : memref<128xf32, #tpu.memory_space<vmem>>, vector<16xf32>,
      tpu.vector_store %arg10[%swap3A], %scan3A_38 {strides = array<i32>} : memref<128xf32, #tpu.memory_space<vmem>>, vector<16xf32>,
    }
    %scan3A_30 = arith.constant 8 : i32
    "tpu.region"() ({
      %run_scoped3A = tpu.sem_alloc : memref<!tpu.dma_semaphore, #tpu.memory_space<semaphore_mem>>
      %dma_start3A = tpu.memref_slice %arg5[%mul3A_7] : memref<4096xf32, #tpu.memory_space<hbm>> -> memref<128xf32, #tpu.memory_space<hbm>>
      %dma_start3A_31 = tpu.memref_slice %arg5[%mul3A_7] : memref<4096xf32, #tpu.memory_space<hbm>> -> memref<128xf32, #tpu.memory_space<hbm>>
      tpu.enqueue_dma source(%arg10 : memref<128xf32, #tpu.memory_space<vmem>>) target(%dma_start3A_31 : memref<128xf32, #tpu.memory_space<hbm>>) target_semaphore(%run_scoped3A : memref<!tpu.dma_semaphore, #tpu.memory_space<semaphore_mem>>)
      %dma_wait3A = tpu.memref_slice %arg5[%mul3A_7] : memref<4096xf32, #tpu.memory_space<hbm>> -> memref<128xf32, #tpu.memory_space<hbm>>
      %dma_wait3A_32 = tpu.memref_slice %arg5[%mul3A_7] : memref<4096xf32, #tpu.memory_space<hbm>> -> memref<128xf32, #tpu.memory_space<hbm>>
      tpu.wait_dma2 semaphore(%run_scoped3A : memref<!tpu.dma_semaphore, #tpu.memory_space<semaphore_mem>>) src(%arg10 : memref<128xf32, #tpu.memory_space<vmem>>) dst(%dma_wait3A_32 : memref<128xf32, #tpu.memory_space<hbm>>)
      tpu.yield
    }) : () -> ()
    return
  }
}

</mosaic_0001>

<sc_bundles>
// kernel: _ft.3.cloned.1.call-start
scs
__scs_entry_jumppad:
0x0: {  	(pc) =	sbr.rel $0x88, $3  }
0x1: {  	(tag) =	ssettag $0x0;
	lr =	simm.s32 $0x1  }
0x2: {  	[smem:$0x3F9E] =	sst lr;
	_ =	strace $0xD0000000  }
0x3: {  	_ = 	snop  }
0x4: {  	_ = 	snop  }
0x5: {  	_ = 	snop  }
0x6: {  	_ = 	snop  }
0x7: {  	_ = 	snop  }
__scs_overlays_trampoline_lowered:
0x8: {  	[smem:$0x3FAD] =	sst s0  }
0x9: {  	[smem:$0x3FAE] =	sst s1  }
0xa: {  	[smem:$0x3FAF] =	sst s2  }
0xb: {  	[smem:$0x3FB0] =	sst s3  }
0xc: {  	[smem:$0x3FB1] =	sst s4  }
0xd: {  	[smem:$0x3FB2] =	sst s5  }
0xe: {  	[smem:$0x3FB3] =	sst s6  }
0xf: {  	[smem:$0x3FB4] =	sst s7  }
0x10: {  	[smem:$0x3FB5] =	sst s8  }
0x11: {  	[smem:$0x3FB6] =	sst s9;
	s0 =	simm.s32 @!p0 $0x0  }
0x12: {  	s1 =	sld [smem:$0x3F9C];
	s0 =	simm.s32 @p0 $0x1  }
0x13: {  	[smem:$0x3FB7] =	sst s0;
	s0 =	simm.s32 @!p1 $0x0  }
0x14: {  	s2 =	sld [smem:$0x3F9B];
	s0 =	simm.s32 @p1 $0x1  }
0x15: {  	[smem:$0x3FB8] =	sst s0;
	s0 =	simm.s32 @!p2 $0x0  }
0x16: {  	s3 =	sld [smem:$0x3FDB];
	s0 =	simm.s32 @p2 $0x1  }
0x17: {  	s4 =	simm.s32 $0x1BF5;
	[smem:$0x3FBA] =	sst s0  }
0x18: {  	s0 =	sld [smem:$0x3F9D];
	_ =	swait.ge [sflag:s4], $0x0  }
0x19: {  	s7 =	sld [smem:$0x3F9E]  }
0x1a: {  	s8 =	sadd.s32 $0xFFFFE003, lr  }
0x1b: {  	s9 =	sadd.s32 $0xFFFFFEF7, lr;
	s5 =	simm.s32 $0xFFFFFFFF;
	p2 =	slt.u32 s8, $0xFFFFF086  }
0x1c: {  	p1 =	slt.u32 s9, $0xF7A;
	s5 =	simm.s32 @!p2 $0x0  }
0x1d: {  	s5 =	simm.s32 @p1 $0x1;
	p0 =	seq.s32 s7, s2  }
0x1e: {  	s7 =	smul.u32 @!p0 $0xF7A, s2;
	p2 =	seq.s32 @!p0 s5, $0x0  }
0x1f: {  	s9 =	smul.u32 $0xF7A, s1;
	s8 =	simm.s32 @!p0 $0x1BF5;
	p2 =	por !p2, p0  }
0x20: {  	[sflag:s8] =	ssyncset.s32 @!p0 $0xFFFFF086;
	s6 =	sadd.s32 @!p0 s3, s7;
	s7 =	simm.s32 @!p0 $0x108  }
0x21: {  	s3 =	sadd.s32 s3, s9;
	s6 =	sadd.s32 @!p0 $0x88, s6;
	s7 =	simm.s32 @p2 $0x1082  }
0x22: {  	[simem:s7], [sflag:s8] =	dma.local @!p0 [hbm:s6], $0xF7A  }
0x23: {  	s9 =	sor.u32 $0xD0000000, s2;
	s6 =	simm.s32 $0x108;
	_ =	swait.ge @!p0 [sflag:s8], $0x0  }
0x24: {  	s3 =	sadd.s32 $0x88, s3;
	s6 =	simm.s32 @!p1 $0x1082;
	[sflag:s4] =	ssyncset.s32 $0xFFFFF086  }
0x25: {  	[simem:s6], [sflag:s4] =	dma.local [hbm:s3], $0xF7A  }
0x26: {  	[smem:$0x3F9E] =	sst s1;
	(tag) =	ssettag s2;
	_ =	strace s9  }
0x27: {  	s1 =	sld [smem:$0x3FAE]  }
0x28: {  	s2 =	sld [smem:$0x3FAF]  }
0x29: {  	s4 =	sld [smem:$0x3FB1]  }
0x2a: {  	p0 =	seq.s32 s5, $0x0;
	s5 =	sld [smem:$0x3FB2]  }
0x2b: {  	s6 =	sld [smem:$0x3FB3]  }
0x2c: {  	s7 =	sld [smem:$0x3FB4]  }
0x2d: {  	s3 =	simm.s32 $0x108;
	s8 =	sld [smem:$0x3FB5]  }
0x2e: {  	s3 =	simm.s32 @!p0 $0x1082;
	s9 =	sld [smem:$0x3FB6]  }
0x2f: {  	lr =	sadd.s32 s0, s3;
	s0 =	sld [smem:$0x3FAD]  }
0x30: {  	s3 =	sld [smem:$0x3FB0]  }
0x31: {  	[smem:$0x3FB9] =	sst s10  }
0x32: {  	s10 =	sld [smem:$0x3FB7];
	_ =	sdelay $0x3  }
0x33: {  	p0 =	seq.s32 s10, $0x1;
	s10 =	sld [smem:$0x3FB9];
	_ =	sdelay $0x3  }
0x34: {  	[smem:$0x3FB9] =	sst s10  }
0x35: {  	s10 =	sld [smem:$0x3FB8];
	_ =	sdelay $0x3  }
0x36: {  	p1 =	seq.s32 s10, $0x1;
	s10 =	sld [smem:$0x3FB9];
	_ =	sdelay $0x3  }
0x37: {  	[smem:$0x3FB9] =	sst s10  }
0x38: {  	s10 =	sld [smem:$0x3FBA]  }
0x39: {  	_ = 	snop;
	(pc) =	sbr.ind lr, $3  }
0x3a: {  	_ = 	snop  }
0x3b: {  	_ = 	snop  }
0x3c: {  	p2 =	seq.s32 s10, $0x1;
	s10 =	sld [smem:$0x3FB9]  }
0x3d: {  	_ =	shalt  }
0x3e: {  	_ =	shalt  }
0x3f: {  	_ =	shalt  }
0x40: {  	_ =	shalt  }
0x41: {  	_ =	shalt  }
0x42: {  	_ =	shalt  }
0x43: {  	_ =	shalt  }
0x44: {  	_ =	shalt  }
0x45: {  	_ =	shalt  }
0x46: {  	_ =	shalt  }
0x47: {  	_ =	shalt  }
0x48: {  	_ =	shalt  }
0x49: {  	_ =	shalt  }
0x4a: {  	_ =	shalt  }
0x4b: {  	_ =	shalt  }
0x4c: {  	_ =	shalt  }
0x4d: {  	_ =	shalt  }
0x4e: {  	_ =	shalt  }
0x4f: {  	_ =	shalt  }
0x50: {  	_ =	shalt  }
0x51: {  	_ =	shalt  }
0x52: {  	_ =	shalt  }
0x53: {  	_ =	shalt  }
0x54: {  	_ =	shalt  }
0x55: {  	_ =	shalt  }
0x56: {  	_ =	shalt  }
0x57: {  	_ =	shalt  }
0x58: {  	_ =	shalt  }
0x59: {  	_ =	shalt  }
0x5a: {  	_ =	shalt  }
0x5b: {  	_ =	shalt  }
0x5c: {  	_ =	shalt  }
0x5d: {  	_ =	shalt  }
0x5e: {  	_ =	shalt  }
0x5f: {  	_ =	shalt  }
0x60: {  	_ =	shalt  }
0x61: {  	_ =	shalt  }
0x62: {  	_ =	shalt  }
0x63: {  	_ =	shalt  }
0x64: {  	_ =	shalt  }
0x65: {  	_ =	shalt  }
0x66: {  	_ =	shalt  }
0x67: {  	_ =	shalt  }
0x68: {  	_ =	shalt  }
0x69: {  	_ =	shalt  }
0x6a: {  	_ =	shalt  }
0x6b: {  	_ =	shalt  }
0x6c: {  	_ =	shalt  }
0x6d: {  	_ =	shalt  }
0x6e: {  	_ =	shalt  }
0x6f: {  	_ =	shalt  }
0x70: {  	_ =	shalt  }
0x71: {  	_ =	shalt  }
0x72: {  	_ =	shalt  }
0x73: {  	_ =	shalt  }
0x74: {  	_ =	shalt  }
0x75: {  	_ =	shalt  }
0x76: {  	_ =	shalt  }
0x77: {  	_ =	shalt  }
0x78: {  	_ =	shalt  }
0x79: {  	_ =	shalt  }
0x7a: {  	_ =	shalt  }
0x7b: {  	_ =	shalt  }
0x7c: {  	_ =	shalt  }
0x7d: {  	_ =	shalt  }
0x7e: {  	_ =	shalt  }
0x7f: {  	_ =	shalt  }
0x80: {  	_ =	shalt  }
0x81: {  	_ =	shalt  }
0x82: {  	_ =	shalt  }
0x83: {  	_ =	shalt  }
0x84: {  	_ =	shalt  }
0x85: {  	_ =	shalt  }
0x86: {  	_ =	shalt  }
0x87: {  	_ =	shalt  }
.Lfunc_end0:
.L_simem_size_0:
called_computation_lowered:
.L_overlay_start_0:
0x88: {  	s2 =	sld [smem:$0x3FD9]  }
0x89: {  	s3 =	sld [smem:$0x3FFE];
	_ =	sdelay $0x1  }
0x8a: {  	s1 =	srdreg.scid  }
0x8b: {  	s0 =	sand.u32 $0x1, s1  }
0x8c: {  	s17 =	sshll.u32 s0, $0xA;
	s2 =	sadd.s32 s3, s2  }
0x8d: {  	s2 =	sadd.s32 s2, s17  }
0x8e: {  	[smem:$0x3FC5] =	sst s2  }
0x8f: {  	_ = 	snop  }
0x90: {  	s2 =	sld [smem:$0x3FC9]  }
0x91: {  	s18 =	sld [smem:$0x3FC8];
	(tm) =	ssettm $0x1  }
0x92: {  	s4 =	sld [smem:$0x3FFB];
	_ =	sdelay $0x3  }
0x93: {  	_ =	strace s4  }
0x94: {  	s4 =	sld [smem:$0x3FFC];
	_ =	sdelay $0x3  }
0x95: {  	_ =	strace s4  }
0x96: {  	s4 =	sld [smem:$0x3FFD];
	_ =	sdelay $0x3  }
0x97: {  	_ =	strace s4  }
0x98: {  	_ =	strace $0x8FFFFFFF  }
0x99: {  	s19 =	sld [smem:$0x3FDB];
	_ =	sdelay $0x1  }
0x9a: {  	s5 =	simm.s32 $_scs_section_size  }
0x9b: {  	s6 =	simm.s32 $_size__tile_overlayer_lowered;
	s7 =	simm.s32 $_tile_overlayer_lowered  }
0x9c: {  	s22 =	simm.s32 $0x1BFF;
	s21 =	sshll.u32 s7, $0x1;
	s4 =	sadd.s32 s5, s19  }
0x9d: {  	s8 =	simm.s32 $0x0;
	s20 =	sshll.u32 s6, $0x1;
	s6 =	sadd.s32 s21, s4  }
0x9e: {  	[timem:s8], [sflag:s22] =	dma.local [hbm:s6], s20  }
0x9f: {  	_ =	swait.ge [sflag:s22], s20  }
0xa0: {  	s5 =	ssub.s32 $0x0, s20;
	[sflag:s22] =	ssyncset.done $0x0  }
0xa1: {  	[sflag:s22] =	ssyncadd.s32 s5;
	_ =	sdelay $0x1  }
0xa2: {  	s23 =	simm.s32 $0x1B8B  }
0xa3: {  	_ =	swait.ge [sflag:s23], $0x1  }
0xa4: {  	[sflag:s23] =	ssyncset.done $0x0  }
0xa5: {  	s25 =	simm.s32 $0x1B8E;
	s24 =	sld [smem:$0x3FFE];
	[sflag:s23] =	ssyncadd.s32 $0xFFFFFFFF  }
0xa6: {  	s26 =	simm.s32 $execute0_lowered;
	[smem:$0x3FD2] =	sst s25  }
0xa7: {  	s6 =	sshll.u32 s26, $0x1;
	_ =	strace $0x80000046;
	[dreg:$0x1] =	wrdreg $0xFFFFFFFF  }
0xa8: {  	s28 =	simm.s32 $_size_execute0_lowered;
	s4 =	sadd.s32 s4, s6;
	[dreg:$0x0] =	wrdreg $0x0  }
0xa9: {  	s6 =	sshll.u32 s28, $0x1;
	[dreg:$0x2] =	wrdreg s4  }
0xaa: {  	[dreg:$0x3] =	wrdreg s6  }
0xab: {  	[dreg:$0x4] =	wrdreg $0xC0  }
0xac: {  	_ =	task [dreg:s8], $0x5FFFF  }
0xad: {  	[dreg:$0x1] =	wrdreg $0xFFFFFFFF  }
0xae: {  	[dreg:$0x0] =	wrdreg $0x60  }
0xaf: {  	[dreg:$0x2] =	wrdreg s2  }
0xb0: {  	[dreg:$0x3] =	wrdreg s18  }
0xb1: {  	[dreg:$0x4] =	wrdreg s24  }
0xb2: {  	[dreg:$0x5] =	wrdreg $0x9  }
0xb3: {  	_ =	task.clear_ibuf [dreg:s8], $0x6FFFF;
	_ =	strace $0x90000046  }
0xb4: {  	s29 =	simm.s32 $0x9;
	_ =	strace $0x80000048  }
0xb5: {  	_ =	swait.ge [sflag:s29], $0x1  }
0xb6: {  	[sflag:s29] =	ssyncadd.s32 $0xFFFFFFFF  }
0xb7: {  	_ =	strace $0x90000048  }
0xb8: {  	_ =	sfence  }
0xb9: {  	s30 =	sld [smem:$0x0];
	_ =	sdelay $0x2  }
0xba: {  	s31 =	sshll.u32 s1, $0xD;
	s1 =	sshrl.u32 s1, $0x2  }
0xbb: {  	s3 =	sand.u32 $0x4000, s31;
	s1 =	sadd.s32 s1, s30  }
0xbc: {  	s0 =	sor.u32 s3, s0;
	s1 =	sshll.u32 s1, $0x11  }
0xbd: {  	s0 =	sor.u32 s1, s0  }
0xbe: {  	s0 =	sadd.s32 $0x8F2B, s0  }
0xbf: {  	[sflag:s0] =	ssyncadd.remote.s32 $0x1  }
0xc0: {  	_ =	sfence.sel $0xFFFF  }
0xc1: {  	[dreg:$0x0] =	wrdreg $0xFFFFFFFF;
	(pc) =	sbr.abs _section_cstart, $3  }
0xc2: {  	[dreg:$0x1] =	wrdreg $0xFFFFFFFF  }
0xc3: {  	_ =	task.clear_ibuf [dreg:s8], $0x2FFFF;
	_ =	strace $0x9FFFFFFF  }
0xc4: {  	(tm) =	ssettm $0x7FFFFFFF  }
0xc5: {  	_ =	shalt  }
tec
execute0_lowered:
.L_overlay_start_1:
0x0: {  	(tag) =	ssettag $0x1  }
0x1: {  	s2 =	rddreg [dreg:$0x0]  }
0x2: {  	s11 =	rddreg [dreg:$0x1]  }
0x3: {  	s0 =	rddreg [dreg:$0x2];
	s4 =	simm.s32 $0x0  }
0x4: {  	s1 =	srdreg.scid;
	s3 =	stileid.u32;
	s15 =	simm.s32 $0x80  }
0x5: {  	s16 =	simm.s32 $0x400;
	s17 =	simm.s32 $0x3;
	s18 =	simm.s32 $0x800  }
0x6: {  	s19 =	simm.s32 $0x8000;
	s20 =	simm.s32 $0x18700;
	s21 =	simm.s32 $0x1A700  }
0x7: {  	s22 =	simm.s32 $0x1;
	s23 =	simm.s32 $0x2;
	s24 =	simm.s32 $0x1C700  }
0x8: {  	[smem:$0x7FF] =	sst s4;
	s1 =	sand.u32 $0x1, s1;
	s3 =	sshll.u32 s3, $0x1  }
0x9: {  	s5 =	sadd.s32 $0xA00, s0;
	s8 =	sadd.s32 $0x200, s11;
	s9 =	sadd.s32 $0x300, s11  }
0xa: {  	s2 =	sadd.s32 $0x30E000, s2;
	_ =	strace $0x80000047;
	s3 =	sor.u32 s1, s3  }
0xb: {  	s1 =	ssub.s32 $0x2, s1;
	s6 =	sshll.u32 s3, $0x4;
	s10 =	sshll.u32 s3, $0xF  }
0xc: {  	s0 =	sadd.s32 s6, s0;
	s6 =	smul.u32 $0xC3800, s3;
	s3 =	sshll.u32 s3, $0x7  }
0xd: {  	[dreg:$0x4] =	wrdreg s2;
	s7 =	sshrl.u32 s1, $0x1;
	s3 =	sadd.s32 s11, s3  }
0xe: {  	s1 =	ssub.s32 s1, s7;
	s0 =	sadd.s32 $0x20A00, s0;
	[dreg:$0x5] =	wrdreg s3  }
0xf: {  	s2 =	smov.u32 s11;
	s31 =	smax.u32 s1, $0x1;
	[dreg:$0x6] =	wrdreg s0  }
0x10: {  	s7 =	sadd.s32 $0x100, s11;
	s1 =	simm.s32 $0x0;
	[dreg:$0x7] =	wrdreg s31  }
.LBB2_1:
.Ltmp0:
0x11: {  	(pc) =	sbr.rel .LBB2_2-.Ltmp0, $2  }
0x12: {  	_ =	sdelay $0x2  }
0x13: {  	[dreg:$0x8] =	wrdreg s1;
	s31 =	simm.s32 $0x0  }
.LBB2_9:
0x14: {  	s0 =	sadd.s32 s10, s0;
	s31 =	sadd.s32 $0x1, s31  }
0x15: {  	s0 =	sshrl.u32 s0, $0x3;
	p0 =	sne.s32 s31, $0x8  }
.Ltmp1:
0x16: {  	s0 =	sadd.s32 s5, s0;
	(pc) =	sbr.rel @!p0 .LBB2_10-.Ltmp1, $4  }
0x17: {  	[hbm4b:s0+s15] =	stream.strided.scatter [tilespmem:s24], [sflag:$0x3], $0x1000, s16, s15, $0x38;
	[tilespmem:$0x1D780] =	vst v63  }
0x18: {  	_ =	swait.ge [sflag:s17], $0x1000  }
0x19: {  	[sflag:s17] =	ssyncset.done $0x0  }
0x1a: {  	[sflag:s17] =	ssyncadd.s32 $0xFFFFF000  }
.LBB2_2:
0x1b: {  	s0 =	sshll.u32 s31, $0x7  }
0x1c: {  	s1 =	sadd.s32 s6, s0  }
0x1d: {  	s3 =	rddreg [dreg:$0x0];
	s1 =	sshrl.u32 s1, $0x3  }
0x1e: {  	s1 =	sadd.s32 s3, s1;
	s3 =	simm.s32 $0x0  }
0x1f: {  	[tilespmem:s3], [sflag:$0x3] =	stream.strided.gather [hbm4b:s1+s15], $0x18700, s16, s15, $0x38;
	[tilespmem:$0x1D780] =	vst v63  }
0x20: {  	_ =	swait.ge [sflag:s17], $0x18700  }
0x21: {  	[sflag:s17] =	ssyncset.done $0x0  }
0x22: {  	[sflag:s17] =	ssyncadd.s32 $0xFFFE7900  }
0x23: {  	[tilespmem:s20], [sflag:$0x1] =	stream.strided.gather [hbm4b:s2+s18], $0x2000, s19, s18, $0x38;
	[tilespmem:$0x1D780] =	vst v63  }
0x24: {  	s25 =	simm.s32 $0x0  }
0x25: {  	[tilespmem:s21], [sflag:$0x2] =	stream.strided.gather [hbm4b:s7+s18], $0x2000, s19, s18, $0x38;
	[tilespmem:$0x1D780] =	vst v63  }
.LBB2_3:
0x26: {  	_ =	swait.ge [sflag:s22], $0x2000  }
0x27: {  	s12 =	sand.u32 $0x70, s3;
	s1 =	sand.u32 $0x400, s3;
	[sflag:s22] =	ssyncset.done $0x0  }
0x28: {  	s11 =	sor.u32 s12, s1;
	[sflag:s22] =	ssyncadd.s32 $0xFFFFE000  }
0x29: {  	v0 =	vld [tilespmem:s11+$0x18700];
	_ =	sdelay $0x1  }
0x2a: {  	v1 =	vld [tilespmem:s11+$0x18780];
	_ =	sdelay $0x1  }
0x2b: {  	v2 =	vld [tilespmem:s11+$0x18800];
	_ =	sdelay $0x1  }
0x2c: {  	v3 =	vld [tilespmem:s11+$0x18880]  }
0x2d: {  	v4 =	vld [tilespmem:s11+$0x18900]  }
0x2e: {  	v0 =	vld.idx.msk [tilespmem:v0+s4+$0x0], $0xffff  }
0x2f: {  	v5 =	vld [tilespmem:s11+$0x18980]  }
0x30: {  	v1 =	vld.idx.msk [tilespmem:v1+s4+$0x0], $0xffff  }
0x31: {  	v6 =	vld [tilespmem:s11+$0x18A00]  }
0x32: {  	v2 =	vld.idx.msk [tilespmem:v2+s4+$0x0], $0xffff  }
0x33: {  	v7 =	vld [tilespmem:s11+$0x18A80];
	v0 =	vadd.f32 $0.0e+00, v0  }
0x34: {  	v3 =	vld.idx.msk [tilespmem:v3+s4+$0x0], $0xffff  }
0x35: {  	v8 =	vld [tilespmem:s11+$0x18F00];
	v0 =	vadd.f32 v1, v0  }
0x36: {  	v1 =	vld.idx.msk [tilespmem:v4+s4+$0x0], $0xffff  }
0x37: {  	v41 =	vld [tilespmem:s11+$0x18F80];
	v0 =	vadd.f32 v2, v0  }
0x38: {  	v2 =	vld.idx.msk [tilespmem:v5+s4+$0x0], $0xffff  }
0x39: {  	v42 =	vld [tilespmem:s11+$0x19000];
	v0 =	vadd.f32 v3, v0  }
0x3a: {  	v3 =	vld.idx.msk [tilespmem:v6+s4+$0x0], $0xffff  }
0x3b: {  	v43 =	vld [tilespmem:s11+$0x19080];
	v0 =	vadd.f32 v1, v0  }
0x3c: {  	v1 =	vld.idx.msk [tilespmem:v7+s4+$0x0], $0xffff  }
0x3d: {  	v44 =	vld [tilespmem:s11+$0x19100];
	v0 =	vadd.f32 v2, v0  }
0x3e: {  	v2 =	vld.idx.msk [tilespmem:v8+s4+$0x0], $0xffff  }
0x3f: {  	v45 =	vld [tilespmem:s11+$0x19180];
	v0 =	vadd.f32 v3, v0  }
0x40: {  	v3 =	vld.idx.msk [tilespmem:v41+s4+$0x0], $0xffff  }
0x41: {  	v46 =	vld [tilespmem:s11+$0x19200];
	v0 =	vadd.f32 v1, v0  }
0x42: {  	v1 =	vld.idx.msk [tilespmem:v42+s4+$0x0], $0xffff  }
0x43: {  	v47 =	vld [tilespmem:s11+$0x19280];
	v0 =	vadd.f32 v2, v0  }
0x44: {  	v2 =	vld.idx.msk [tilespmem:v43+s4+$0x0], $0xffff  }
0x45: {  	v48 =	vld [tilespmem:s11+$0x19700];
	v0 =	vadd.f32 v3, v0  }
0x46: {  	v3 =	vld.idx.msk [tilespmem:v44+s4+$0x0], $0xffff  }
0x47: {  	v49 =	vld [tilespmem:s11+$0x19780];
	v0 =	vadd.f32 v1, v0  }
0x48: {  	v1 =	vld.idx.msk [tilespmem:v45+s4+$0x0], $0xffff  }
0x49: {  	v50 =	vld [tilespmem:s11+$0x19800];
	v0 =	vadd.f32 v2, v0  }
0x4a: {  	v2 =	vld.idx.msk [tilespmem:v46+s4+$0x0], $0xffff  }
0x4b: {  	v51 =	vld [tilespmem:s11+$0x19880];
	v0 =	vadd.f32 v3, v0  }
0x4c: {  	v3 =	vld.idx.msk [tilespmem:v47+s4+$0x0], $0xffff  }
0x4d: {  	v52 =	vld [tilespmem:s11+$0x19900];
	v0 =	vadd.f32 v1, v0  }
0x4e: {  	v1 =	vld.idx.msk [tilespmem:v48+s4+$0x0], $0xffff  }
0x4f: {  	v53 =	vld [tilespmem:s11+$0x19980];
	v0 =	vadd.f32 v2, v0  }
0x50: {  	v2 =	vld.idx.msk [tilespmem:v49+s4+$0x0], $0xffff  }
0x51: {  	v54 =	vld [tilespmem:s11+$0x19A00];
	v0 =	vadd.f32 v3, v0  }
0x52: {  	v3 =	vld.idx.msk [tilespmem:v50+s4+$0x0], $0xffff  }
0x53: {  	v55 =	vld [tilespmem:s11+$0x19A80];
	v0 =	vadd.f32 v1, v0  }
0x54: {  	v1 =	vld.idx.msk [tilespmem:v51+s4+$0x0], $0xffff  }
0x55: {  	v56 =	vld [tilespmem:s11+$0x19F00];
	v0 =	vadd.f32 v2, v0  }
0x56: {  	v2 =	vld.idx.msk [tilespmem:v52+s4+$0x0], $0xffff  }
0x57: {  	v57 =	vld [tilespmem:s11+$0x19F80];
	v0 =	vadd.f32 v3, v0  }
0x58: {  	v3 =	vld.idx.msk [tilespmem:v53+s4+$0x0], $0xffff  }
0x59: {  	v58 =	vld [tilespmem:s11+$0x1A000];
	v0 =	vadd.f32 v1, v0  }
0x5a: {  	v1 =	vld.idx.msk [tilespmem:v54+s4+$0x0], $0xffff  }
0x5b: {  	v59 =	vld [tilespmem:s11+$0x1A080];
	v0 =	vadd.f32 v2, v0  }
0x5c: {  	v2 =	vld.idx.msk [tilespmem:v55+s4+$0x0], $0xffff  }
0x5d: {  	v60 =	vld [tilespmem:s11+$0x1A100];
	v0 =	vadd.f32 v3, v0  }
0x5e: {  	v3 =	vld.idx.msk [tilespmem:v56+s4+$0x0], $0xffff  }
0x5f: {  	v61 =	vld [tilespmem:s11+$0x1A180];
	v0 =	vadd.f32 v1, v0  }
0x60: {  	v1 =	vld.idx.msk [tilespmem:v57+s4+$0x0], $0xffff  }
0x61: {  	v62 =	vld [tilespmem:s11+$0x1A200];
	v0 =	vadd.f32 v2, v0  }
0x62: {  	v2 =	vld.idx.msk [tilespmem:v58+s4+$0x0], $0xffff  }
0x63: {  	v63 =	vld [tilespmem:s11+$0x1A280];
	v0 =	vadd.f32 v3, v0  }
0x64: {  	v3 =	vld.idx.msk [tilespmem:v59+s4+$0x0], $0xffff  }
0x65: {  	v0 =	vadd.f32 v1, v0  }
0x66: {  	v1 =	vld.idx.msk [tilespmem:v60+s4+$0x0], $0xffff  }
0x67: {  	v0 =	vadd.f32 v2, v0  }
0x68: {  	v2 =	vld.idx.msk [tilespmem:v61+s4+$0x0], $0xffff  }
0x69: {  	v0 =	vadd.f32 v3, v0  }
0x6a: {  	v3 =	vld.idx.msk [tilespmem:v62+s4+$0x0], $0xffff  }
0x6b: {  	v0 =	vadd.f32 v1, v0  }
0x6c: {  	v1 =	vld.idx.msk [tilespmem:v63+s4+$0x0], $0xffff  }
0x6d: {  	v0 =	vadd.f32 v2, v0  }
0x6e: {  	s26 =	sshll.u32 s25, $0x9  }
0x6f: {  	s13 =	sand.u32 $0x3FFFFE00, s26;
	v0 =	vadd.f32 v3, v0  }
0x70: {  	s29 =	simm.s32 $0x10;
	s14 =	sand.u32 $0x80, s3;
	s28 =	sadd.s32 $0x1C700, s13  }
0x71: {  	s30 =	sand.u32 $0x70, s29;
	s14 =	sadd.s32 s14, s28;
	s11 =	simm.s32 $0x80;
	v0 =	vadd.f32 v1, v0  }
0x72: {  	s13 =	simm.s32 $0x20;
	s1 =	sand.u32 $0x400, s11;
	s14 =	sadd.s32 s12, s14  }
.LBB2_4:
0x73: {  	p0 =	sne.s32 s13, $0xF0;
	s12 =	sor.u32 s30, s1;
	[tilespmem:s14+$0x0] =	vst v0;
	s14 =	smov.u32 s30  }
0x74: {  	v0 =	vld [tilespmem:s12+$0x18700];
	_ =	sdelay $0x1  }
0x75: {  	v1 =	vld [tilespmem:s12+$0x18780];
	_ =	sdelay $0x1  }
0x76: {  	v2 =	vld [tilespmem:s12+$0x18800];
	_ =	sdelay $0x1  }
0x77: {  	v3 =	vld [tilespmem:s12+$0x18880]  }
0x78: {  	v4 =	vld [tilespmem:s12+$0x18900]  }
0x79: {  	v0 =	vld.idx.msk [tilespmem:v0+s4+$0x0], $0xffff  }
0x7a: {  	v5 =	vld [tilespmem:s12+$0x18980]  }
0x7b: {  	v1 =	vld.idx.msk [tilespmem:v1+s4+$0x0], $0xffff  }
0x7c: {  	v6 =	vld [tilespmem:s12+$0x18A00]  }
0x7d: {  	v2 =	vld.idx.msk [tilespmem:v2+s4+$0x0], $0xffff  }
0x7e: {  	v7 =	vld [tilespmem:s12+$0x18A80]  }
0x7f: {  	v0 =	vadd.f32 $0.0e+00, v0;
	v3 =	vld.idx.msk [tilespmem:v3+s4+$0x0], $0xffff  }
0x80: {  	v8 =	vld [tilespmem:s12+$0x18F00]  }
0x81: {  	v0 =	vadd.f32 v1, v0;
	v1 =	vld.idx.msk [tilespmem:v4+s4+$0x0], $0xffff  }
0x82: {  	v4 =	vld [tilespmem:s12+$0x18F80]  }
0x83: {  	v0 =	vadd.f32 v2, v0;
	v2 =	vld.idx.msk [tilespmem:v5+s4+$0x0], $0xffff  }
0x84: {  	v5 =	vld [tilespmem:s12+$0x19000]  }
0x85: {  	v0 =	vadd.f32 v3, v0;
	v3 =	vld.idx.msk [tilespmem:v6+s4+$0x0], $0xffff  }
0x86: {  	v6 =	vld [tilespmem:s12+$0x19080]  }
0x87: {  	v0 =	vadd.f32 v1, v0;
	v1 =	vld.idx.msk [tilespmem:v7+s4+$0x0], $0xffff  }
0x88: {  	v7 =	vld [tilespmem:s12+$0x19100]  }
0x89: {  	v0 =	vadd.f32 v2, v0;
	v2 =	vld.idx.msk [tilespmem:v8+s4+$0x0], $0xffff  }
0x8a: {  	v8 =	vld [tilespmem:s12+$0x19180]  }
0x8b: {  	v0 =	vadd.f32 v3, v0;
	v3 =	vld.idx.msk [tilespmem:v4+s4+$0x0], $0xffff  }
0x8c: {  	v4 =	vld [tilespmem:s12+$0x19200]  }
0x8d: {  	v0 =	vadd.f32 v1, v0;
	v1 =	vld.idx.msk [tilespmem:v5+s4+$0x0], $0xffff  }
0x8e: {  	v5 =	vld [tilespmem:s12+$0x19280]  }
0x8f: {  	v0 =	vadd.f32 v2, v0;
	v2 =	vld.idx.msk [tilespmem:v6+s4+$0x0], $0xffff  }
0x90: {  	v6 =	vld [tilespmem:s12+$0x19700]  }
0x91: {  	v0 =	vadd.f32 v3, v0;
	v3 =	vld.idx.msk [tilespmem:v7+s4+$0x0], $0xffff  }
0x92: {  	v7 =	vld [tilespmem:s12+$0x19780]  }
0x93: {  	v0 =	vadd.f32 v1, v0;
	v1 =	vld.idx.msk [tilespmem:v8+s4+$0x0], $0xffff  }
0x94: {  	v8 =	vld [tilespmem:s12+$0x19800]  }
0x95: {  	v0 =	vadd.f32 v2, v0;
	v2 =	vld.idx.msk [tilespmem:v4+s4+$0x0], $0xffff  }
0x96: {  	v4 =	vld [tilespmem:s12+$0x19880]  }
0x97: {  	v0 =	vadd.f32 v3, v0;
	v3 =	vld.idx.msk [tilespmem:v5+s4+$0x0], $0xffff  }
0x98: {  	v5 =	vld [tilespmem:s12+$0x19900]  }
0x99: {  	v0 =	vadd.f32 v1, v0;
	v1 =	vld.idx.msk [tilespmem:v6+s4+$0x0], $0xffff  }
0x9a: {  	v6 =	vld [tilespmem:s12+$0x19980]  }
0x9b: {  	v0 =	vadd.f32 v2, v0;
	v2 =	vld.idx.msk [tilespmem:v7+s4+$0x0], $0xffff  }
0x9c: {  	v7 =	vld [tilespmem:s12+$0x19A00]  }
0x9d: {  	v0 =	vadd.f32 v3, v0;
	v3 =	vld.idx.msk [tilespmem:v8+s4+$0x0], $0xffff  }
0x9e: {  	v8 =	vld [tilespmem:s12+$0x19A80]  }
0x9f: {  	v0 =	vadd.f32 v1, v0;
	v1 =	vld.idx.msk [tilespmem:v4+s4+$0x0], $0xffff  }
0xa0: {  	v4 =	vld [tilespmem:s12+$0x19F00]  }
0xa1: {  	v0 =	vadd.f32 v2, v0;
	v2 =	vld.idx.msk [tilespmem:v5+s4+$0x0], $0xffff  }
0xa2: {  	v5 =	vld [tilespmem:s12+$0x19F80]  }
0xa3: {  	v0 =	vadd.f32 v3, v0;
	v3 =	vld.idx.msk [tilespmem:v6+s4+$0x0], $0xffff  }
0xa4: {  	v6 =	vld [tilespmem:s12+$0x1A000]  }
0xa5: {  	v0 =	vadd.f32 v1, v0;
	v1 =	vld.idx.msk [tilespmem:v7+s4+$0x0], $0xffff  }
0xa6: {  	v7 =	vld [tilespmem:s12+$0x1A080]  }
0xa7: {  	v0 =	vadd.f32 v2, v0;
	v2 =	vld.idx.msk [tilespmem:v8+s4+$0x0], $0xffff  }
0xa8: {  	v8 =	vld [tilespmem:s12+$0x1A100]  }
0xa9: {  	v0 =	vadd.f32 v3, v0;
	v3 =	vld.idx.msk [tilespmem:v4+s4+$0x0], $0xffff  }
0xaa: {  	v4 =	vld [tilespmem:s12+$0x1A180]  }
0xab: {  	v0 =	vadd.f32 v1, v0;
	v1 =	vld.idx.msk [tilespmem:v5+s4+$0x0], $0xffff  }
0xac: {  	v5 =	vld [tilespmem:s12+$0x1A200]  }
0xad: {  	v0 =	vadd.f32 v2, v0;
	v2 =	vld.idx.msk [tilespmem:v6+s4+$0x0], $0xffff  }
0xae: {  	v6 =	vld [tilespmem:s12+$0x1A280]  }
0xaf: {  	v0 =	vadd.f32 v3, v0;
	v3 =	vld.idx.msk [tilespmem:v7+s4+$0x0], $0xffff;
	_ =	sdelay $0x1  }
0xb0: {  	v0 =	vadd.f32 v1, v0;
	v1 =	vld.idx.msk [tilespmem:v8+s4+$0x0], $0xffff;
	_ =	sdelay $0x1  }
0xb1: {  	v0 =	vadd.f32 v2, v0;
	v2 =	vld.idx.msk [tilespmem:v4+s4+$0x0], $0xffff;
	_ =	sdelay $0x1  }
0xb2: {  	v0 =	vadd.f32 v3, v0;
	v3 =	vld.idx.msk [tilespmem:v5+s4+$0x0], $0xffff;
	_ =	sdelay $0x1  }
0xb3: {  	v0 =	vadd.f32 v1, v0;
	v1 =	vld.idx.msk [tilespmem:v6+s4+$0x0], $0xffff;
	_ =	sdelay $0x1  }
0xb4: {  	v0 =	vadd.f32 v2, v0  }
.Ltmp2:
0xb5: {  	(pc) =	sbr.rel @p0 .LBB2_4-.Ltmp2, $4  }
0xb6: {  	v0 =	vadd.f32 v3, v0  }
0xb7: {  	s1 =	sand.u32 $0x80, s29;
	s29 =	smov.u32 s13  }
0xb8: {  	s30 =	sand.u32 $0x70, s13;
	s11 =	sadd.s32 $0x80, s11;
	s12 =	sadd.s32 s1, s28;
	v0 =	vadd.f32 v1, v0  }
0xb9: {  	s13 =	sadd.s32 $0x10, s13;
	s1 =	sand.u32 $0x400, s11;
	s14 =	sadd.s32 s14, s12  }
0xba: {  	s11 =	sor.u32 s30, s1;
	[tilespmem:s14+$0x0] =	vst v0  }
0xbb: {  	v0 =	vld [tilespmem:s11+$0x18700];
	_ =	sdelay $0x1  }
0xbc: {  	v1 =	vld [tilespmem:s11+$0x18780];
	_ =	sdelay $0x1  }
0xbd: {  	v2 =	vld [tilespmem:s11+$0x18800];
	_ =	sdelay $0x1  }
0xbe: {  	v3 =	vld [tilespmem:s11+$0x18880]  }
0xbf: {  	v4 =	vld [tilespmem:s11+$0x18900]  }
0xc0: {  	v0 =	vld.idx.msk [tilespmem:v0+s4+$0x0], $0xffff  }
0xc1: {  	v5 =	vld [tilespmem:s11+$0x18980]  }
0xc2: {  	v1 =	vld.idx.msk [tilespmem:v1+s4+$0x0], $0xffff  }
0xc3: {  	v6 =	vld [tilespmem:s11+$0x18A00]  }
0xc4: {  	v2 =	vld.idx.msk [tilespmem:v2+s4+$0x0], $0xffff  }
0xc5: {  	v7 =	vld [tilespmem:s11+$0x18A80];
	v0 =	vadd.f32 $0.0e+00, v0  }
0xc6: {  	v3 =	vld.idx.msk [tilespmem:v3+s4+$0x0], $0xffff  }
0xc7: {  	v8 =	vld [tilespmem:s11+$0x18F00];
	v0 =	vadd.f32 v1, v0  }
0xc8: {  	v1 =	vld.idx.msk [tilespmem:v4+s4+$0x0], $0xffff  }
0xc9: {  	v13 =	vld [tilespmem:s11+$0x18F80];
	v0 =	vadd.f32 v2, v0  }
0xca: {  	v2 =	vld.idx.msk [tilespmem:v5+s4+$0x0], $0xffff  }
0xcb: {  	v14 =	vld [tilespmem:s11+$0x19000];
	v0 =	vadd.f32 v3, v0  }
0xcc: {  	v3 =	vld.idx.msk [tilespmem:v6+s4+$0x0], $0xffff  }
0xcd: {  	v15 =	vld [tilespmem:s11+$0x19080];
	v0 =	vadd.f32 v1, v0  }
0xce: {  	v1 =	vld.idx.msk [tilespmem:v7+s4+$0x0], $0xffff  }
0xcf: {  	v16 =	vld [tilespmem:s11+$0x19100];
	v0 =	vadd.f32 v2, v0  }
0xd0: {  	v2 =	vld.idx.msk [tilespmem:v8+s4+$0x0], $0xffff  }
0xd1: {  	v17 =	vld [tilespmem:s11+$0x19180];
	v0 =	vadd.f32 v3, v0  }
0xd2: {  	v3 =	vld.idx.msk [tilespmem:v13+s4+$0x0], $0xffff  }
0xd3: {  	v18 =	vld [tilespmem:s11+$0x19200];
	v0 =	vadd.f32 v1, v0  }
0xd4: {  	v1 =	vld.idx.msk [tilespmem:v14+s4+$0x0], $0xffff  }
0xd5: {  	v19 =	vld [tilespmem:s11+$0x19280];
	v0 =	vadd.f32 v2, v0  }
0xd6: {  	v2 =	vld.idx.msk [tilespmem:v15+s4+$0x0], $0xffff  }
0xd7: {  	v20 =	vld [tilespmem:s11+$0x19700];
	v0 =	vadd.f32 v3, v0  }
0xd8: {  	v3 =	vld.idx.msk [tilespmem:v16+s4+$0x0], $0xffff  }
0xd9: {  	v21 =	vld [tilespmem:s11+$0x19780];
	v0 =	vadd.f32 v1, v0  }
0xda: {  	v1 =	vld.idx.msk [tilespmem:v17+s4+$0x0], $0xffff  }
0xdb: {  	v22 =	vld [tilespmem:s11+$0x19800];
	v0 =	vadd.f32 v2, v0  }
0xdc: {  	v2 =	vld.idx.msk [tilespmem:v18+s4+$0x0], $0xffff  }
0xdd: {  	v23 =	vld [tilespmem:s11+$0x19880];
	v0 =	vadd.f32 v3, v0  }
0xde: {  	v3 =	vld.idx.msk [tilespmem:v19+s4+$0x0], $0xffff  }
0xdf: {  	v24 =	vld [tilespmem:s11+$0x19900];
	v0 =	vadd.f32 v1, v0  }
0xe0: {  	v1 =	vld.idx.msk [tilespmem:v20+s4+$0x0], $0xffff  }
0xe1: {  	v25 =	vld [tilespmem:s11+$0x19980];
	v0 =	vadd.f32 v2, v0  }
0xe2: {  	v2 =	vld.idx.msk [tilespmem:v21+s4+$0x0], $0xffff  }
0xe3: {  	v26 =	vld [tilespmem:s11+$0x19A00];
	v0 =	vadd.f32 v3, v0  }
0xe4: {  	v3 =	vld.idx.msk [tilespmem:v22+s4+$0x0], $0xffff  }
0xe5: {  	v27 =	vld [tilespmem:s11+$0x19A80];
	v0 =	vadd.f32 v1, v0  }
0xe6: {  	v1 =	vld.idx.msk [tilespmem:v23+s4+$0x0], $0xffff  }
0xe7: {  	v28 =	vld [tilespmem:s11+$0x19F00];
	v0 =	vadd.f32 v2, v0  }
0xe8: {  	v2 =	vld.idx.msk [tilespmem:v24+s4+$0x0], $0xffff  }
0xe9: {  	v29 =	vld [tilespmem:s11+$0x19F80];
	v0 =	vadd.f32 v3, v0  }
0xea: {  	v3 =	vld.idx.msk [tilespmem:v25+s4+$0x0], $0xffff  }
0xeb: {  	v30 =	vld [tilespmem:s11+$0x1A000];
	v0 =	vadd.f32 v1, v0  }
0xec: {  	v1 =	vld.idx.msk [tilespmem:v26+s4+$0x0], $0xffff  }
0xed: {  	v31 =	vld [tilespmem:s11+$0x1A080];
	v0 =	vadd.f32 v2, v0  }
0xee: {  	v2 =	vld.idx.msk [tilespmem:v27+s4+$0x0], $0xffff  }
0xef: {  	v32 =	vld [tilespmem:s11+$0x1A100];
	v0 =	vadd.f32 v3, v0  }
0xf0: {  	v3 =	vld.idx.msk [tilespmem:v28+s4+$0x0], $0xffff  }
0xf1: {  	v33 =	vld [tilespmem:s11+$0x1A180];
	v0 =	vadd.f32 v1, v0  }
0xf2: {  	v1 =	vld.idx.msk [tilespmem:v29+s4+$0x0], $0xffff  }
0xf3: {  	v34 =	vld [tilespmem:s11+$0x1A200];
	v0 =	vadd.f32 v2, v0  }
0xf4: {  	v2 =	vld.idx.msk [tilespmem:v30+s4+$0x0], $0xffff  }
0xf5: {  	v35 =	vld [tilespmem:s11+$0x1A280];
	v0 =	vadd.f32 v3, v0  }
0xf6: {  	v3 =	vld.idx.msk [tilespmem:v31+s4+$0x0], $0xffff  }
0xf7: {  	v0 =	vadd.f32 v1, v0  }
0xf8: {  	v1 =	vld.idx.msk [tilespmem:v32+s4+$0x0], $0xffff  }
0xf9: {  	v0 =	vadd.f32 v2, v0  }
0xfa: {  	v2 =	vld.idx.msk [tilespmem:v33+s4+$0x0], $0xffff  }
0xfb: {  	v0 =	vadd.f32 v3, v0  }
0xfc: {  	v3 =	vld.idx.msk [tilespmem:v34+s4+$0x0], $0xffff  }
0xfd: {  	v0 =	vadd.f32 v1, v0  }
0xfe: {  	v1 =	vld.idx.msk [tilespmem:v35+s4+$0x0], $0xffff  }
0xff: {  	v0 =	vadd.f32 v2, v0;
	_ =	sdelay $0x1  }
0x100: {  	v0 =	vadd.f32 v3, v0  }
0x101: {  	s13 =	sand.u32 $0x80, s29  }
0x102: {  	p0 =	seq.s32 s25, $0x7;
	s1 =	sadd.s32 s13, s28;
	v0 =	vadd.f32 v1, v0  }
0x103: {  	s11 =	sadd.s32 @!p0 s26, s8;
	s1 =	sadd.s32 s30, s1  }
0x104: {  	s12 =	simm.s32 @!p0 $0x8000;
	s13 =	simm.s32 @!p0 $0x18700;
	[tilespmem:s1+$0x0] =	vst v0;
	s1 =	simm.s32 @!p0 $0x800  }
0x105: {  	[tilespmem:s13], [sflag:$0x1] =	stream.strided.gather @!p0 [hbm4b:s11+s1], $0x2000, s12, s1, $0x38;
	[tilespmem:$0x1D780] =	vst v63  }
0x106: {  	s11 =	simm.s32 $0x0;
	_ =	swait.ge [sflag:s23], $0x2000  }
0x107: {  	s12 =	sand.u32 $0x70, s11;
	s14 =	sand.u32 $0x400, s11;
	[sflag:s23] =	ssyncset.done $0x0  }
0x108: {  	s1 =	sor.u32 s12, s14;
	[sflag:s23] =	ssyncadd.s32 $0xFFFFE000  }
0x109: {  	v0 =	vld [tilespmem:s1+$0x1A700];
	_ =	sdelay $0x1  }
0x10a: {  	v1 =	vld [tilespmem:s1+$0x1A780];
	_ =	sdelay $0x1  }
0x10b: {  	v2 =	vld [tilespmem:s1+$0x1A800];
	_ =	sdelay $0x1  }
0x10c: {  	v3 =	vld [tilespmem:s1+$0x1A880]  }
0x10d: {  	v36 =	vld [tilespmem:s1+$0x1A900]  }
0x10e: {  	v0 =	vld.idx.msk [tilespmem:v0+s4+$0x0], $0xffff  }
0x10f: {  	v37 =	vld [tilespmem:s1+$0x1A980]  }
0x110: {  	v1 =	vld.idx.msk [tilespmem:v1+s4+$0x0], $0xffff  }
0x111: {  	v38 =	vld [tilespmem:s1+$0x1AA00]  }
0x112: {  	v2 =	vld.idx.msk [tilespmem:v2+s4+$0x0], $0xffff  }
0x113: {  	v39 =	vld [tilespmem:s1+$0x1AA80];
	v0 =	vadd.f32 $0.0e+00, v0  }
0x114: {  	v3 =	vld.idx.msk [tilespmem:v3+s4+$0x0], $0xffff  }
0x115: {  	v40 =	vld [tilespmem:s1+$0x1AF00];
	v0 =	vadd.f32 v1, v0  }
0x116: {  	v1 =	vld.idx.msk [tilespmem:v36+s4+$0x0], $0xffff  }
0x117: {  	v41 =	vld [tilespmem:s1+$0x1AF80];
	v0 =	vadd.f32 v2, v0  }
0x118: {  	v2 =	vld.idx.msk [tilespmem:v37+s4+$0x0], $0xffff  }
0x119: {  	v42 =	vld [tilespmem:s1+$0x1B000];
	v0 =	vadd.f32 v3, v0  }
0x11a: {  	v3 =	vld.idx.msk [tilespmem:v38+s4+$0x0], $0xffff  }
0x11b: {  	v43 =	vld [tilespmem:s1+$0x1B080];
	v0 =	vadd.f32 v1, v0  }
0x11c: {  	v1 =	vld.idx.msk [tilespmem:v39+s4+$0x0], $0xffff  }
0x11d: {  	v44 =	vld [tilespmem:s1+$0x1B100];
	v0 =	vadd.f32 v2, v0  }
0x11e: {  	v2 =	vld.idx.msk [tilespmem:v40+s4+$0x0], $0xffff  }
0x11f: {  	v45 =	vld [tilespmem:s1+$0x1B180];
	v0 =	vadd.f32 v3, v0  }
0x120: {  	v3 =	vld.idx.msk [tilespmem:v41+s4+$0x0], $0xffff  }
0x121: {  	v46 =	vld [tilespmem:s1+$0x1B200];
	v0 =	vadd.f32 v1, v0  }
0x122: {  	v1 =	vld.idx.msk [tilespmem:v42+s4+$0x0], $0xffff  }
0x123: {  	v47 =	vld [tilespmem:s1+$0x1B280];
	v0 =	vadd.f32 v2, v0  }
0x124: {  	v2 =	vld.idx.msk [tilespmem:v43+s4+$0x0], $0xffff  }
0x125: {  	v48 =	vld [tilespmem:s1+$0x1B700];
	v0 =	vadd.f32 v3, v0  }
0x126: {  	v3 =	vld.idx.msk [tilespmem:v44+s4+$0x0], $0xffff  }
0x127: {  	v49 =	vld [tilespmem:s1+$0x1B780];
	v0 =	vadd.f32 v1, v0  }
0x128: {  	v1 =	vld.idx.msk [tilespmem:v45+s4+$0x0], $0xffff  }
0x129: {  	v50 =	vld [tilespmem:s1+$0x1B800];
	v0 =	vadd.f32 v2, v0  }
0x12a: {  	v2 =	vld.idx.msk [tilespmem:v46+s4+$0x0], $0xffff  }
0x12b: {  	v51 =	vld [tilespmem:s1+$0x1B880];
	v0 =	vadd.f32 v3, v0  }
0x12c: {  	v3 =	vld.idx.msk [tilespmem:v47+s4+$0x0], $0xffff  }
0x12d: {  	v52 =	vld [tilespmem:s1+$0x1B900];
	v0 =	vadd.f32 v1, v0  }
0x12e: {  	v1 =	vld.idx.msk [tilespmem:v48+s4+$0x0], $0xffff  }
0x12f: {  	v53 =	vld [tilespmem:s1+$0x1B980];
	v0 =	vadd.f32 v2, v0  }
0x130: {  	v2 =	vld.idx.msk [tilespmem:v49+s4+$0x0], $0xffff  }
0x131: {  	v54 =	vld [tilespmem:s1+$0x1BA00];
	v0 =	vadd.f32 v3, v0  }
0x132: {  	v3 =	vld.idx.msk [tilespmem:v50+s4+$0x0], $0xffff  }
0x133: {  	v55 =	vld [tilespmem:s1+$0x1BA80];
	v0 =	vadd.f32 v1, v0  }
0x134: {  	v1 =	vld.idx.msk [tilespmem:v51+s4+$0x0], $0xffff  }
0x135: {  	v56 =	vld [tilespmem:s1+$0x1BF00];
	v0 =	vadd.f32 v2, v0  }
0x136: {  	v2 =	vld.idx.msk [tilespmem:v52+s4+$0x0], $0xffff  }
0x137: {  	v57 =	vld [tilespmem:s1+$0x1BF80];
	v0 =	vadd.f32 v3, v0  }
0x138: {  	v3 =	vld.idx.msk [tilespmem:v53+s4+$0x0], $0xffff  }
0x139: {  	v58 =	vld [tilespmem:s1+$0x1C000];
	v0 =	vadd.f32 v1, v0  }
0x13a: {  	v1 =	vld.idx.msk [tilespmem:v54+s4+$0x0], $0xffff  }
0x13b: {  	v59 =	vld [tilespmem:s1+$0x1C080];
	v0 =	vadd.f32 v2, v0  }
0x13c: {  	v2 =	vld.idx.msk [tilespmem:v55+s4+$0x0], $0xffff  }
0x13d: {  	v60 =	vld [tilespmem:s1+$0x1C100];
	v0 =	vadd.f32 v3, v0  }
0x13e: {  	v3 =	vld.idx.msk [tilespmem:v56+s4+$0x0], $0xffff  }
0x13f: {  	v61 =	vld [tilespmem:s1+$0x1C180];
	v0 =	vadd.f32 v1, v0  }
0x140: {  	v1 =	vld.idx.msk [tilespmem:v57+s4+$0x0], $0xffff  }
0x141: {  	v62 =	vld [tilespmem:s1+$0x1C200];
	v0 =	vadd.f32 v2, v0  }
0x142: {  	v2 =	vld.idx.msk [tilespmem:v58+s4+$0x0], $0xffff  }
0x143: {  	v63 =	vld [tilespmem:s1+$0x1C280];
	v0 =	vadd.f32 v3, v0  }
0x144: {  	v3 =	vld.idx.msk [tilespmem:v59+s4+$0x0], $0xffff  }
0x145: {  	v0 =	vadd.f32 v1, v0  }
0x146: {  	v1 =	vld.idx.msk [tilespmem:v60+s4+$0x0], $0xffff  }
0x147: {  	v0 =	vadd.f32 v2, v0  }
0x148: {  	v2 =	vld.idx.msk [tilespmem:v61+s4+$0x0], $0xffff  }
0x149: {  	v0 =	vadd.f32 v3, v0  }
0x14a: {  	v3 =	vld.idx.msk [tilespmem:v62+s4+$0x0], $0xffff  }
0x14b: {  	v0 =	vadd.f32 v1, v0  }
0x14c: {  	v1 =	vld.idx.msk [tilespmem:v63+s4+$0x0], $0xffff  }
0x14d: {  	v0 =	vadd.f32 v2, v0;
	_ =	sdelay $0x1  }
0x14e: {  	v0 =	vadd.f32 v3, v0  }
0x14f: {  	s29 =	simm.s32 $0x10;
	s14 =	sand.u32 $0x80, s11  }
0x150: {  	s30 =	sand.u32 $0x70, s29;
	s11 =	simm.s32 $0x80;
	s14 =	sadd.s32 s14, s28;
	v0 =	vadd.f32 v1, v0  }
0x151: {  	s13 =	simm.s32 $0x20;
	s1 =	sand.u32 $0x400, s11;
	s14 =	sadd.s32 s12, s14  }
.LBB2_6:
0x152: {  	p1 =	sne.s32 s13, $0xF0;
	s12 =	sor.u32 s30, s1;
	[tilespmem:s14+$0x100] =	vst v0;
	s14 =	smov.u32 s30  }
0x153: {  	v0 =	vld [tilespmem:s12+$0x1A700];
	_ =	sdelay $0x1  }
0x154: {  	v1 =	vld [tilespmem:s12+$0x1A780];
	_ =	sdelay $0x1  }
0x155: {  	v2 =	vld [tilespmem:s12+$0x1A800];
	_ =	sdelay $0x1  }
0x156: {  	v3 =	vld [tilespmem:s12+$0x1A880]  }
0x157: {  	v4 =	vld [tilespmem:s12+$0x1A900]  }
0x158: {  	v0 =	vld.idx.msk [tilespmem:v0+s4+$0x0], $0xffff  }
0x159: {  	v5 =	vld [tilespmem:s12+$0x1A980]  }
0x15a: {  	v1 =	vld.idx.msk [tilespmem:v1+s4+$0x0], $0xffff  }
0x15b: {  	v6 =	vld [tilespmem:s12+$0x1AA00]  }
0x15c: {  	v2 =	vld.idx.msk [tilespmem:v2+s4+$0x0], $0xffff  }
0x15d: {  	v7 =	vld [tilespmem:s12+$0x1AA80]  }
0x15e: {  	v0 =	vadd.f32 $0.0e+00, v0;
	v3 =	vld.idx.msk [tilespmem:v3+s4+$0x0], $0xffff  }
0x15f: {  	v8 =	vld [tilespmem:s12+$0x1AF00]  }
0x160: {  	v0 =	vadd.f32 v1, v0;
	v1 =	vld.idx.msk [tilespmem:v4+s4+$0x0], $0xffff  }
0x161: {  	v4 =	vld [tilespmem:s12+$0x1AF80]  }
0x162: {  	v0 =	vadd.f32 v2, v0;
	v2 =	vld.idx.msk [tilespmem:v5+s4+$0x0], $0xffff  }
0x163: {  	v5 =	vld [tilespmem:s12+$0x1B000]  }
0x164: {  	v0 =	vadd.f32 v3, v0;
	v3 =	vld.idx.msk [tilespmem:v6+s4+$0x0], $0xffff  }
0x165: {  	v6 =	vld [tilespmem:s12+$0x1B080]  }
0x166: {  	v0 =	vadd.f32 v1, v0;
	v1 =	vld.idx.msk [tilespmem:v7+s4+$0x0], $0xffff  }
0x167: {  	v7 =	vld [tilespmem:s12+$0x1B100]  }
0x168: {  	v0 =	vadd.f32 v2, v0;
	v2 =	vld.idx.msk [tilespmem:v8+s4+$0x0], $0xffff  }
0x169: {  	v8 =	vld [tilespmem:s12+$0x1B180]  }
0x16a: {  	v0 =	vadd.f32 v3, v0;
	v3 =	vld.idx.msk [tilespmem:v4+s4+$0x0], $0xffff  }
0x16b: {  	v4 =	vld [tilespmem:s12+$0x1B200]  }
0x16c: {  	v0 =	vadd.f32 v1, v0;
	v1 =	vld.idx.msk [tilespmem:v5+s4+$0x0], $0xffff  }
0x16d: {  	v5 =	vld [tilespmem:s12+$0x1B280]  }
0x16e: {  	v0 =	vadd.f32 v2, v0;
	v2 =	vld.idx.msk [tilespmem:v6+s4+$0x0], $0xffff  }
0x16f: {  	v6 =	vld [tilespmem:s12+$0x1B700]  }
0x170: {  	v0 =	vadd.f32 v3, v0;
	v3 =	vld.idx.msk [tilespmem:v7+s4+$0x0], $0xffff  }
0x171: {  	v7 =	vld [tilespmem:s12+$0x1B780]  }
0x172: {  	v0 =	vadd.f32 v1, v0;
	v1 =	vld.idx.msk [tilespmem:v8+s4+$0x0], $0xffff  }
0x173: {  	v8 =	vld [tilespmem:s12+$0x1B800]  }
0x174: {  	v0 =	vadd.f32 v2, v0;
	v2 =	vld.idx.msk [tilespmem:v4+s4+$0x0], $0xffff  }
0x175: {  	v4 =	vld [tilespmem:s12+$0x1B880]  }
0x176: {  	v0 =	vadd.f32 v3, v0;
	v3 =	vld.idx.msk [tilespmem:v5+s4+$0x0], $0xffff  }
0x177: {  	v5 =	vld [tilespmem:s12+$0x1B900]  }
0x178: {  	v0 =	vadd.f32 v1, v0;
	v1 =	vld.idx.msk [tilespmem:v6+s4+$0x0], $0xffff  }
0x179: {  	v6 =	vld [tilespmem:s12+$0x1B980]  }
0x17a: {  	v0 =	vadd.f32 v2, v0;
	v2 =	vld.idx.msk [tilespmem:v7+s4+$0x0], $0xffff  }
0x17b: {  	v7 =	vld [tilespmem:s12+$0x1BA00]  }
0x17c: {  	v0 =	vadd.f32 v3, v0;
	v3 =	vld.idx.msk [tilespmem:v8+s4+$0x0], $0xffff  }
0x17d: {  	v8 =	vld [tilespmem:s12+$0x1BA80]  }
0x17e: {  	v0 =	vadd.f32 v1, v0;
	v1 =	vld.idx.msk [tilespmem:v4+s4+$0x0], $0xffff  }
0x17f: {  	v4 =	vld [tilespmem:s12+$0x1BF00]  }
0x180: {  	v0 =	vadd.f32 v2, v0;
	v2 =	vld.idx.msk [tilespmem:v5+s4+$0x0], $0xffff  }
0x181: {  	v5 =	vld [tilespmem:s12+$0x1BF80]  }
0x182: {  	v0 =	vadd.f32 v3, v0;
	v3 =	vld.idx.msk [tilespmem:v6+s4+$0x0], $0xffff  }
0x183: {  	v6 =	vld [tilespmem:s12+$0x1C000]  }
0x184: {  	v0 =	vadd.f32 v1, v0;
	v1 =	vld.idx.msk [tilespmem:v7+s4+$0x0], $0xffff  }
0x185: {  	v7 =	vld [tilespmem:s12+$0x1C080]  }
0x186: {  	v0 =	vadd.f32 v2, v0;
	v2 =	vld.idx.msk [tilespmem:v8+s4+$0x0], $0xffff  }
0x187: {  	v8 =	vld [tilespmem:s12+$0x1C100]  }
0x188: {  	v0 =	vadd.f32 v3, v0;
	v3 =	vld.idx.msk [tilespmem:v4+s4+$0x0], $0xffff  }
0x189: {  	v4 =	vld [tilespmem:s12+$0x1C180]  }
0x18a: {  	v0 =	vadd.f32 v1, v0;
	v1 =	vld.idx.msk [tilespmem:v5+s4+$0x0], $0xffff  }
0x18b: {  	v5 =	vld [tilespmem:s12+$0x1C200]  }
0x18c: {  	v0 =	vadd.f32 v2, v0;
	v2 =	vld.idx.msk [tilespmem:v6+s4+$0x0], $0xffff  }
0x18d: {  	v6 =	vld [tilespmem:s12+$0x1C280]  }
0x18e: {  	v0 =	vadd.f32 v3, v0;
	v3 =	vld.idx.msk [tilespmem:v7+s4+$0x0], $0xffff;
	_ =	sdelay $0x1  }
0x18f: {  	v0 =	vadd.f32 v1, v0;
	v1 =	vld.idx.msk [tilespmem:v8+s4+$0x0], $0xffff;
	_ =	sdelay $0x1  }
0x190: {  	v0 =	vadd.f32 v2, v0;
	v2 =	vld.idx.msk [tilespmem:v4+s4+$0x0], $0xffff;
	_ =	sdelay $0x1  }
0x191: {  	v0 =	vadd.f32 v3, v0;
	v3 =	vld.idx.msk [tilespmem:v5+s4+$0x0], $0xffff;
	_ =	sdelay $0x1  }
0x192: {  	v0 =	vadd.f32 v1, v0;
	v1 =	vld.idx.msk [tilespmem:v6+s4+$0x0], $0xffff;
	_ =	sdelay $0x1  }
0x193: {  	v0 =	vadd.f32 v2, v0  }
.Ltmp3:
0x194: {  	(pc) =	sbr.rel @p1 .LBB2_6-.Ltmp3, $4  }
0x195: {  	v0 =	vadd.f32 v3, v0  }
0x196: {  	s1 =	sand.u32 $0x80, s29;
	s29 =	smov.u32 s13  }
0x197: {  	s30 =	sand.u32 $0x70, s13;
	s11 =	sadd.s32 $0x80, s11;
	s12 =	sadd.s32 s1, s28;
	v0 =	vadd.f32 v1, v0  }
0x198: {  	s13 =	sadd.s32 $0x10, s13;
	s1 =	sand.u32 $0x400, s11;
	s14 =	sadd.s32 s14, s12  }
0x199: {  	s11 =	sor.u32 s30, s1;
	[tilespmem:s14+$0x100] =	vst v0  }
0x19a: {  	v0 =	vld [tilespmem:s11+$0x1A700];
	_ =	sdelay $0x1  }
0x19b: {  	v1 =	vld [tilespmem:s11+$0x1A780];
	_ =	sdelay $0x1  }
0x19c: {  	v2 =	vld [tilespmem:s11+$0x1A800];
	_ =	sdelay $0x1  }
0x19d: {  	v3 =	vld [tilespmem:s11+$0x1A880]  }
0x19e: {  	v4 =	vld [tilespmem:s11+$0x1A900]  }
0x19f: {  	v0 =	vld.idx.msk [tilespmem:v0+s4+$0x0], $0xffff  }
0x1a0: {  	v5 =	vld [tilespmem:s11+$0x1A980]  }
0x1a1: {  	v1 =	vld.idx.msk [tilespmem:v1+s4+$0x0], $0xffff  }
0x1a2: {  	v6 =	vld [tilespmem:s11+$0x1AA00]  }
0x1a3: {  	v2 =	vld.idx.msk [tilespmem:v2+s4+$0x0], $0xffff  }
0x1a4: {  	v7 =	vld [tilespmem:s11+$0x1AA80];
	v0 =	vadd.f32 $0.0e+00, v0  }
0x1a5: {  	v3 =	vld.idx.msk [tilespmem:v3+s4+$0x0], $0xffff  }
0x1a6: {  	v8 =	vld [tilespmem:s11+$0x1AF00];
	v0 =	vadd.f32 v1, v0  }
0x1a7: {  	v13 =	vld.idx.msk [tilespmem:v4+s4+$0x0], $0xffff  }
0x1a8: {  	v14 =	vld [tilespmem:s11+$0x1AF80];
	v0 =	vadd.f32 v2, v0  }
0x1a9: {  	v15 =	vld.idx.msk [tilespmem:v5+s4+$0x0], $0xffff  }
0x1aa: {  	v16 =	vld [tilespmem:s11+$0x1B000];
	v0 =	vadd.f32 v3, v0  }
0x1ab: {  	v17 =	vld.idx.msk [tilespmem:v6+s4+$0x0], $0xffff  }
0x1ac: {  	v18 =	vld [tilespmem:s11+$0x1B080];
	v0 =	vadd.f32 v13, v0  }
0x1ad: {  	v19 =	vld.idx.msk [tilespmem:v7+s4+$0x0], $0xffff  }
0x1ae: {  	v20 =	vld [tilespmem:s11+$0x1B100];
	v0 =	vadd.f32 v15, v0  }
0x1af: {  	v21 =	vld.idx.msk [tilespmem:v8+s4+$0x0], $0xffff  }
0x1b0: {  	v22 =	vld [tilespmem:s11+$0x1B180];
	v0 =	vadd.f32 v17, v0  }
0x1b1: {  	v23 =	vld.idx.msk [tilespmem:v14+s4+$0x0], $0xffff  }
0x1b2: {  	v24 =	vld [tilespmem:s11+$0x1B200];
	v0 =	vadd.f32 v19, v0  }
0x1b3: {  	v25 =	vld.idx.msk [tilespmem:v16+s4+$0x0], $0xffff  }
0x1b4: {  	v26 =	vld [tilespmem:s11+$0x1B280];
	v0 =	vadd.f32 v21, v0  }
0x1b5: {  	v27 =	vld.idx.msk [tilespmem:v18+s4+$0x0], $0xffff  }
0x1b6: {  	v28 =	vld [tilespmem:s11+$0x1B700];
	v0 =	vadd.f32 v23, v0  }
0x1b7: {  	v29 =	vld.idx.msk [tilespmem:v20+s4+$0x0], $0xffff  }
0x1b8: {  	v30 =	vld [tilespmem:s11+$0x1B780];
	v0 =	vadd.f32 v25, v0  }
0x1b9: {  	v31 =	vld.idx.msk [tilespmem:v22+s4+$0x0], $0xffff  }
0x1ba: {  	v32 =	vld [tilespmem:s11+$0x1B800];
	v0 =	vadd.f32 v27, v0  }
0x1bb: {  	v33 =	vld.idx.msk [tilespmem:v24+s4+$0x0], $0xffff  }
0x1bc: {  	v34 =	vld [tilespmem:s11+$0x1B880];
	v0 =	vadd.f32 v29, v0  }
0x1bd: {  	v35 =	vld.idx.msk [tilespmem:v26+s4+$0x0], $0xffff  }
0x1be: {  	v36 =	vld [tilespmem:s11+$0x1B900];
	v0 =	vadd.f32 v31, v0  }
0x1bf: {  	v37 =	vld.idx.msk [tilespmem:v28+s4+$0x0], $0xffff  }
0x1c0: {  	v38 =	vld [tilespmem:s11+$0x1B980];
	v0 =	vadd.f32 v33, v0  }
0x1c1: {  	v39 =	vld.idx.msk [tilespmem:v30+s4+$0x0], $0xffff  }
0x1c2: {  	v40 =	vld [tilespmem:s11+$0x1BA00];
	v0 =	vadd.f32 v35, v0  }
0x1c3: {  	v41 =	vld.idx.msk [tilespmem:v32+s4+$0x0], $0xffff  }
0x1c4: {  	v42 =	vld [tilespmem:s11+$0x1BA80];
	v0 =	vadd.f32 v37, v0  }
0x1c5: {  	v43 =	vld.idx.msk [tilespmem:v34+s4+$0x0], $0xffff  }
0x1c6: {  	v44 =	vld [tilespmem:s11+$0x1BF00];
	v0 =	vadd.f32 v39, v0  }
0x1c7: {  	v45 =	vld.idx.msk [tilespmem:v36+s4+$0x0], $0xffff  }
0x1c8: {  	v46 =	vld [tilespmem:s11+$0x1BF80];
	v0 =	vadd.f32 v41, v0  }
0x1c9: {  	v47 =	vld.idx.msk [tilespmem:v38+s4+$0x0], $0xffff  }
0x1ca: {  	v48 =	vld [tilespmem:s11+$0x1C000];
	v0 =	vadd.f32 v43, v0  }
0x1cb: {  	v49 =	vld.idx.msk [tilespmem:v40+s4+$0x0], $0xffff  }
0x1cc: {  	v50 =	vld [tilespmem:s11+$0x1C080];
	v0 =	vadd.f32 v45, v0  }
0x1cd: {  	v51 =	vld.idx.msk [tilespmem:v42+s4+$0x0], $0xffff  }
0x1ce: {  	v52 =	vld [tilespmem:s11+$0x1C100];
	v0 =	vadd.f32 v47, v0  }
0x1cf: {  	v53 =	vld.idx.msk [tilespmem:v44+s4+$0x0], $0xffff  }
0x1d0: {  	v54 =	vld [tilespmem:s11+$0x1C180];
	v0 =	vadd.f32 v49, v0  }
0x1d1: {  	v55 =	vld.idx.msk [tilespmem:v46+s4+$0x0], $0xffff  }
0x1d2: {  	v56 =	vld [tilespmem:s11+$0x1C200];
	v0 =	vadd.f32 v51, v0  }
0x1d3: {  	v57 =	vld.idx.msk [tilespmem:v48+s4+$0x0], $0xffff  }
0x1d4: {  	v58 =	vld [tilespmem:s11+$0x1C280];
	v0 =	vadd.f32 v53, v0  }
0x1d5: {  	v59 =	vld.idx.msk [tilespmem:v50+s4+$0x0], $0xffff  }
0x1d6: {  	v0 =	vadd.f32 v55, v0  }
0x1d7: {  	v60 =	vld.idx.msk [tilespmem:v52+s4+$0x0], $0xffff  }
0x1d8: {  	v0 =	vadd.f32 v57, v0  }
0x1d9: {  	v61 =	vld.idx.msk [tilespmem:v54+s4+$0x0], $0xffff  }
0x1da: {  	v0 =	vadd.f32 v59, v0  }
0x1db: {  	v62 =	vld.idx.msk [tilespmem:v56+s4+$0x0], $0xffff  }
0x1dc: {  	v0 =	vadd.f32 v60, v0  }
0x1dd: {  	v63 =	vld.idx.msk [tilespmem:v58+s4+$0x0], $0xffff  }
0x1de: {  	v0 =	vadd.f32 v61, v0;
	_ =	sdelay $0x1  }
.Ltmp4:
0x1df: {  	v0 =	vadd.f32 v62, v0;
	(pc) =	sbr.rel @p0 .LBB2_9-.Ltmp4, $4  }
0x1e0: {  	s29 =	sand.u32 $0x80, s29  }
0x1e1: {  	s1 =	sadd.s32 s29, s28;
	v0 =	vadd.f32 v63, v0  }
0x1e2: {  	s1 =	sadd.s32 s30, s1  }
0x1e3: {  	[tilespmem:s1+$0x100] =	vst v0  }
.Ltmp5:
0x1e4: {  	(pc) =	sbr.rel .LBB2_3-.Ltmp5, $3  }
0x1e5: {  	_ =	sdelay $0x1  }
0x1e6: {  	s1 =	sadd.s32 s26, s9;
	s25 =	sadd.s32 $0x1, s25  }
0x1e7: {  	[tilespmem:s21], [sflag:$0x2] =	stream.strided.gather [hbm4b:s1+s18], $0x2000, s19, s18, $0x38;
	[tilespmem:$0x1D780] =	vst v63  }
.LBB2_10:
0x1e8: {  	s0 =	simm.s32 $0x0;
	s1 =	rddreg [dreg:$0x4]  }
0x1e9: {  	[tilespmem:s0], [sflag:$0x3] =	stream.strided.gather [hbm4b:s1+s15], $0x18700, s16, s15, $0x38;
	[tilespmem:$0x1D780] =	vst v63  }
0x1ea: {  	_ =	swait.ge [sflag:s17], $0x18700  }
0x1eb: {  	[sflag:s17] =	ssyncset.done $0x0  }
0x1ec: {  	s3 =	rddreg [dreg:$0x5];
	[sflag:s17] =	ssyncadd.s32 $0xFFFE7900  }
0x1ed: {  	[tilespmem:s20], [sflag:$0x3] =	stream.linear.gather [hbm4b:s3+s0], $0x400, $0x38;
	[tilespmem:$0x1D780] =	vst v63  }
0x1ee: {  	s11 =	simm.s32 $0x18F00;
	s26 =	sadd.s32 $0x1000, s3  }
0x1ef: {  	[tilespmem:s11], [sflag:$0x3] =	stream.linear.gather [hbm4b:s26+s0], $0x400, $0x38;
	[tilespmem:$0x1D780] =	vst v63  }
0x1f0: {  	s29 =	simm.s32 $0x19700;
	s28 =	sadd.s32 $0x2000, s3  }
0x1f1: {  	[tilespmem:s29], [sflag:$0x3] =	stream.linear.gather [hbm4b:s28+s0], $0x400, $0x38;
	[tilespmem:$0x1D780] =	vst v63  }
0x1f2: {  	s31 =	simm.s32 $0x19F00;
	s30 =	sadd.s32 $0x3000, s3  }
0x1f3: {  	[tilespmem:s31], [sflag:$0x3] =	stream.linear.gather [hbm4b:s30+s0], $0x400, $0x38;
	[tilespmem:$0x1D780] =	vst v63  }
0x1f4: {  	_ =	swait.ge [sflag:s17], $0x1000  }
0x1f5: {  	[sflag:s17] =	ssyncset.done $0x0  }
0x1f6: {  	s0 =	simm.s32 $0x0;
	[sflag:s17] =	ssyncadd.s32 $0xFFFFF000  }
0x1f7: {  	v0 =	vld [tilespmem:s0+$0x18700];
	_ =	sdelay $0x1  }
0x1f8: {  	v1 =	vld [tilespmem:s0+$0x18780];
	_ =	sdelay $0x1  }
0x1f9: {  	v2 =	vld [tilespmem:s0+$0x18800];
	_ =	sdelay $0x1  }
0x1fa: {  	v3 =	vld [tilespmem:s0+$0x18880]  }
0x1fb: {  	v4 =	vld [tilespmem:s0+$0x18900]  }
0x1fc: {  	v0 =	vld.idx.msk [tilespmem:v0+s4+$0x0], $0xffff  }
0x1fd: {  	v5 =	vld [tilespmem:s0+$0x18980]  }
0x1fe: {  	v1 =	vld.idx.msk [tilespmem:v1+s4+$0x0], $0xffff  }
0x1ff: {  	v6 =	vld [tilespmem:s0+$0x18A00]  }
0x200: {  	v2 =	vld.idx.msk [tilespmem:v2+s4+$0x0], $0xffff  }
0x201: {  	v7 =	vld [tilespmem:s0+$0x18A80];
	v0 =	vadd.f32 $0.0e+00, v0  }
0x202: {  	v3 =	vld.idx.msk [tilespmem:v3+s4+$0x0], $0xffff  }
0x203: {  	v8 =	vld [tilespmem:s0+$0x18F00];
	v0 =	vadd.f32 v1, v0  }
0x204: {  	v1 =	vld.idx.msk [tilespmem:v4+s4+$0x0], $0xffff  }
0x205: {  	v4 =	vld [tilespmem:s0+$0x18F80];
	v0 =	vadd.f32 v2, v0  }
0x206: {  	v2 =	vld.idx.msk [tilespmem:v5+s4+$0x0], $0xffff  }
0x207: {  	v5 =	vld [tilespmem:s0+$0x19000];
	v0 =	vadd.f32 v3, v0  }
0x208: {  	v3 =	vld.idx.msk [tilespmem:v6+s4+$0x0], $0xffff  }
0x209: {  	v50 =	vld [tilespmem:s0+$0x19080];
	v0 =	vadd.f32 v1, v0  }
0x20a: {  	v1 =	vld.idx.msk [tilespmem:v7+s4+$0x0], $0xffff  }
0x20b: {  	v51 =	vld [tilespmem:s0+$0x19100];
	v0 =	vadd.f32 v2, v0  }
0x20c: {  	v2 =	vld.idx.msk [tilespmem:v8+s4+$0x0], $0xffff  }
0x20d: {  	v52 =	vld [tilespmem:s0+$0x19180];
	v0 =	vadd.f32 v3, v0  }
0x20e: {  	v3 =	vld.idx.msk [tilespmem:v4+s4+$0x0], $0xffff  }
0x20f: {  	v4 =	vld [tilespmem:s0+$0x19200];
	v0 =	vadd.f32 v1, v0  }
0x210: {  	v1 =	vld.idx.msk [tilespmem:v5+s4+$0x0], $0xffff  }
0x211: {  	v5 =	vld [tilespmem:s0+$0x19280];
	v0 =	vadd.f32 v2, v0  }
0x212: {  	v2 =	vld.idx.msk [tilespmem:v50+s4+$0x0], $0xffff  }
0x213: {  	v53 =	vld [tilespmem:s0+$0x19700];
	v0 =	vadd.f32 v3, v0  }
0x214: {  	v3 =	vld.idx.msk [tilespmem:v51+s4+$0x0], $0xffff  }
0x215: {  	v54 =	vld [tilespmem:s0+$0x19780];
	v0 =	vadd.f32 v1, v0  }
0x216: {  	v1 =	vld.idx.msk [tilespmem:v52+s4+$0x0], $0xffff  }
0x217: {  	v55 =	vld [tilespmem:s0+$0x19800];
	v0 =	vadd.f32 v2, v0  }
0x218: {  	v2 =	vld.idx.msk [tilespmem:v4+s4+$0x0], $0xffff  }
0x219: {  	v4 =	vld [tilespmem:s0+$0x19880];
	v0 =	vadd.f32 v3, v0  }
0x21a: {  	v3 =	vld.idx.msk [tilespmem:v5+s4+$0x0], $0xffff  }
0x21b: {  	v5 =	vld [tilespmem:s0+$0x19900];
	v0 =	vadd.f32 v1, v0  }
0x21c: {  	v1 =	vld.idx.msk [tilespmem:v53+s4+$0x0], $0xffff  }
0x21d: {  	v56 =	vld [tilespmem:s0+$0x19980];
	v0 =	vadd.f32 v2, v0  }
0x21e: {  	v2 =	vld.idx.msk [tilespmem:v54+s4+$0x0], $0xffff  }
0x21f: {  	v57 =	vld [tilespmem:s0+$0x19A00];
	v0 =	vadd.f32 v3, v0  }
0x220: {  	v3 =	vld.idx.msk [tilespmem:v55+s4+$0x0], $0xffff  }
0x221: {  	v58 =	vld [tilespmem:s0+$0x19A80];
	v0 =	vadd.f32 v1, v0  }
0x222: {  	v1 =	vld.idx.msk [tilespmem:v4+s4+$0x0], $0xffff  }
0x223: {  	v4 =	vld [tilespmem:s0+$0x19F00];
	v0 =	vadd.f32 v2, v0  }
0x224: {  	v2 =	vld.idx.msk [tilespmem:v5+s4+$0x0], $0xffff  }
0x225: {  	v5 =	vld [tilespmem:s0+$0x19F80];
	v0 =	vadd.f32 v3, v0  }
0x226: {  	v3 =	vld.idx.msk [tilespmem:v56+s4+$0x0], $0xffff  }
0x227: {  	v59 =	vld [tilespmem:s0+$0x1A000];
	v0 =	vadd.f32 v1, v0  }
0x228: {  	v1 =	vld.idx.msk [tilespmem:v57+s4+$0x0], $0xffff  }
0x229: {  	v60 =	vld [tilespmem:s0+$0x1A080];
	v0 =	vadd.f32 v2, v0  }
0x22a: {  	v2 =	vld.idx.msk [tilespmem:v58+s4+$0x0], $0xffff  }
0x22b: {  	v61 =	vld [tilespmem:s0+$0x1A100];
	v0 =	vadd.f32 v3, v0  }
0x22c: {  	v3 =	vld.idx.msk [tilespmem:v4+s4+$0x0], $0xffff  }
0x22d: {  	v4 =	vld [tilespmem:s0+$0x1A180];
	v0 =	vadd.f32 v1, v0  }
0x22e: {  	v1 =	vld.idx.msk [tilespmem:v5+s4+$0x0], $0xffff  }
0x22f: {  	v5 =	vld [tilespmem:s0+$0x1A200];
	v0 =	vadd.f32 v2, v0  }
0x230: {  	v2 =	vld.idx.msk [tilespmem:v59+s4+$0x0], $0xffff  }
0x231: {  	v62 =	vld [tilespmem:s0+$0x1A280];
	v0 =	vadd.f32 v3, v0  }
0x232: {  	v3 =	vld.idx.msk [tilespmem:v60+s4+$0x0], $0xffff  }
0x233: {  	v0 =	vadd.f32 v1, v0  }
0x234: {  	v63 =	vld.idx.msk [tilespmem:v61+s4+$0x0], $0xffff  }
0x235: {  	v1 =	vadd.f32 v2, v0  }
0x236: {  	v0 =	vld.idx.msk [tilespmem:v4+s4+$0x0], $0xffff  }
0x237: {  	v2 =	vadd.f32 v3, v1  }
0x238: {  	v1 =	vld.idx.msk [tilespmem:v5+s4+$0x0], $0xffff  }
0x239: {  	s3 =	simm.s32 $0x80;
	s11 =	simm.s32 $0x10;
	v3 =	vadd.f32 v63, v2;
	v2 =	vld.idx.msk [tilespmem:v62+s4+$0x0], $0xffff  }
.LBB2_11:
0x23a: {  	p0 =	sne.s32 s3, $0x1C0;
	v4 =	vld [tilespmem:s11+$0x18700]  }
0x23b: {  	v0 =	vadd.f32 v0, v3  }
0x23c: {  	v3 =	vld [tilespmem:s11+$0x18780]  }
0x23d: {  	v0 =	vadd.f32 v1, v0  }
0x23e: {  	v1 =	vld [tilespmem:s11+$0x18800]  }
0x23f: {  	v0 =	vadd.f32 v2, v0  }
0x240: {  	v2 =	vld [tilespmem:s11+$0x18880]  }
0x241: {  	v5 =	vld [tilespmem:s11+$0x18900];
	[tilespmem:s0+$0x1D700] =	vst v0;
	s0 =	smov.u32 s11  }
0x242: {  	v0 =	vld.idx.msk [tilespmem:v4+s4+$0x0], $0xffff  }
0x243: {  	v4 =	vld [tilespmem:s0+$0x18980]  }
0x244: {  	v3 =	vld.idx.msk [tilespmem:v3+s4+$0x0], $0xffff  }
0x245: {  	v6 =	vld [tilespmem:s0+$0x18A00]  }
0x246: {  	v1 =	vld.idx.msk [tilespmem:v1+s4+$0x0], $0xffff  }
0x247: {  	v7 =	vld [tilespmem:s0+$0x18A80]  }
0x248: {  	v0 =	vadd.f32 $0.0e+00, v0;
	v2 =	vld.idx.msk [tilespmem:v2+s4+$0x0], $0xffff  }
0x249: {  	v8 =	vld [tilespmem:s0+$0x18F00]  }
0x24a: {  	v0 =	vadd.f32 v3, v0;
	v3 =	vld.idx.msk [tilespmem:v5+s4+$0x0], $0xffff  }
0x24b: {  	v5 =	vld [tilespmem:s0+$0x18F80]  }
0x24c: {  	v0 =	vadd.f32 v1, v0;
	v1 =	vld.idx.msk [tilespmem:v4+s4+$0x0], $0xffff  }
0x24d: {  	v4 =	vld [tilespmem:s0+$0x19000]  }
0x24e: {  	v0 =	vadd.f32 v2, v0;
	v2 =	vld.idx.msk [tilespmem:v6+s4+$0x0], $0xffff  }
0x24f: {  	v6 =	vld [tilespmem:s0+$0x19080]  }
0x250: {  	v0 =	vadd.f32 v3, v0;
	v3 =	vld.idx.msk [tilespmem:v7+s4+$0x0], $0xffff  }
0x251: {  	v7 =	vld [tilespmem:s0+$0x19100]  }
0x252: {  	v0 =	vadd.f32 v1, v0;
	v1 =	vld.idx.msk [tilespmem:v8+s4+$0x0], $0xffff  }
0x253: {  	v8 =	vld [tilespmem:s0+$0x19180]  }
0x254: {  	v0 =	vadd.f32 v2, v0;
	v2 =	vld.idx.msk [tilespmem:v5+s4+$0x0], $0xffff  }
0x255: {  	v5 =	vld [tilespmem:s0+$0x19200]  }
0x256: {  	v0 =	vadd.f32 v3, v0;
	v3 =	vld.idx.msk [tilespmem:v4+s4+$0x0], $0xffff  }
0x257: {  	v4 =	vld [tilespmem:s0+$0x19280]  }
0x258: {  	v0 =	vadd.f32 v1, v0;
	v1 =	vld.idx.msk [tilespmem:v6+s4+$0x0], $0xffff  }
0x259: {  	v6 =	vld [tilespmem:s0+$0x19700]  }
0x25a: {  	v0 =	vadd.f32 v2, v0;
	v2 =	vld.idx.msk [tilespmem:v7+s4+$0x0], $0xffff  }
0x25b: {  	v7 =	vld [tilespmem:s0+$0x19780]  }
0x25c: {  	v0 =	vadd.f32 v3, v0;
	v3 =	vld.idx.msk [tilespmem:v8+s4+$0x0], $0xffff  }
0x25d: {  	v8 =	vld [tilespmem:s0+$0x19800]  }
0x25e: {  	v0 =	vadd.f32 v1, v0;
	v1 =	vld.idx.msk [tilespmem:v5+s4+$0x0], $0xffff  }
0x25f: {  	v5 =	vld [tilespmem:s0+$0x19880]  }
0x260: {  	v0 =	vadd.f32 v2, v0;
	v2 =	vld.idx.msk [tilespmem:v4+s4+$0x0], $0xffff  }
0x261: {  	v4 =	vld [tilespmem:s0+$0x19900]  }
0x262: {  	v0 =	vadd.f32 v3, v0;
	v3 =	vld.idx.msk [tilespmem:v6+s4+$0x0], $0xffff  }
0x263: {  	v6 =	vld [tilespmem:s0+$0x19980]  }
0x264: {  	v0 =	vadd.f32 v1, v0;
	v1 =	vld.idx.msk [tilespmem:v7+s4+$0x0], $0xffff  }
0x265: {  	v7 =	vld [tilespmem:s0+$0x19A00]  }
0x266: {  	v0 =	vadd.f32 v2, v0;
	v2 =	vld.idx.msk [tilespmem:v8+s4+$0x0], $0xffff  }
0x267: {  	v8 =	vld [tilespmem:s0+$0x19A80]  }
0x268: {  	v0 =	vadd.f32 v3, v0;
	v3 =	vld.idx.msk [tilespmem:v5+s4+$0x0], $0xffff  }
0x269: {  	v5 =	vld [tilespmem:s0+$0x19F00]  }
0x26a: {  	v0 =	vadd.f32 v1, v0;
	v1 =	vld.idx.msk [tilespmem:v4+s4+$0x0], $0xffff  }
0x26b: {  	v4 =	vld [tilespmem:s0+$0x19F80]  }
0x26c: {  	v0 =	vadd.f32 v2, v0;
	v2 =	vld.idx.msk [tilespmem:v6+s4+$0x0], $0xffff  }
0x26d: {  	v6 =	vld [tilespmem:s0+$0x1A000]  }
0x26e: {  	v0 =	vadd.f32 v3, v0;
	v3 =	vld.idx.msk [tilespmem:v7+s4+$0x0], $0xffff  }
0x26f: {  	v7 =	vld [tilespmem:s0+$0x1A080]  }
0x270: {  	v0 =	vadd.f32 v1, v0;
	v1 =	vld.idx.msk [tilespmem:v8+s4+$0x0], $0xffff  }
0x271: {  	v8 =	vld [tilespmem:s0+$0x1A100]  }
0x272: {  	v0 =	vadd.f32 v2, v0;
	v2 =	vld.idx.msk [tilespmem:v5+s4+$0x0], $0xffff  }
0x273: {  	v5 =	vld [tilespmem:s0+$0x1A180]  }
0x274: {  	v0 =	vadd.f32 v3, v0;
	v3 =	vld.idx.msk [tilespmem:v4+s4+$0x0], $0xffff  }
0x275: {  	v4 =	vld [tilespmem:s0+$0x1A200]  }
0x276: {  	v0 =	vadd.f32 v1, v0;
	v1 =	vld.idx.msk [tilespmem:v6+s4+$0x0], $0xffff  }
0x277: {  	v6 =	vld [tilespmem:s0+$0x1A280]  }
0x278: {  	v0 =	vadd.f32 v2, v0;
	v2 =	vld.idx.msk [tilespmem:v7+s4+$0x0], $0xffff;
	_ =	sdelay $0x1  }
0x279: {  	v0 =	vadd.f32 v3, v0;
	v3 =	vld.idx.msk [tilespmem:v8+s4+$0x0], $0xffff;
	_ =	sdelay $0x1  }
.Ltmp6:
0x27a: {  	v1 =	vadd.f32 v1, v0;
	v0 =	vld.idx.msk [tilespmem:v5+s4+$0x0], $0xffff;
	(pc) =	sbr.rel @p0 .LBB2_11-.Ltmp6, $3  }
0x27b: {  	_ = 	snop  }
0x27c: {  	v2 =	vadd.f32 v2, v1;
	v1 =	vld.idx.msk [tilespmem:v4+s4+$0x0], $0xffff;
	_ =	sdelay $0x1  }
0x27d: {  	s11 =	sshra.s32 s3, $0x2;
	s3 =	sadd.s32 $0x40, s3;
	v3 =	vadd.f32 v3, v2;
	v2 =	vld.idx.msk [tilespmem:v6+s4+$0x0], $0xffff  }
0x27e: {  	v4 =	vld [tilespmem:s11+$0x18700]  }
0x27f: {  	v0 =	vadd.f32 v0, v3  }
0x280: {  	v9 =	vld [tilespmem:s11+$0x18780]  }
0x281: {  	v0 =	vadd.f32 v1, v0  }
0x282: {  	v10 =	vld [tilespmem:s11+$0x18800]  }
0x283: {  	v0 =	vadd.f32 v2, v0  }
0x284: {  	v11 =	vld [tilespmem:s11+$0x18880]  }
0x285: {  	v5 =	vld [tilespmem:s11+$0x18900];
	[tilespmem:s0+$0x1D700] =	vst v0  }
0x286: {  	v0 =	vld.idx.msk [tilespmem:v4+s4+$0x0], $0xffff  }
0x287: {  	v12 =	vld [tilespmem:s11+$0x18980]  }
0x288: {  	v3 =	vld.idx.msk [tilespmem:v9+s4+$0x0], $0xffff  }
0x289: {  	v6 =	vld [tilespmem:s11+$0x18A00]  }
0x28a: {  	v1 =	vld.idx.msk [tilespmem:v10+s4+$0x0], $0xffff  }
0x28b: {  	v7 =	vld [tilespmem:s11+$0x18A80];
	v0 =	vadd.f32 $0.0e+00, v0  }
0x28c: {  	v2 =	vld.idx.msk [tilespmem:v11+s4+$0x0], $0xffff  }
0x28d: {  	v8 =	vld [tilespmem:s11+$0x18F00];
	v0 =	vadd.f32 v3, v0  }
0x28e: {  	v13 =	vld.idx.msk [tilespmem:v5+s4+$0x0], $0xffff  }
0x28f: {  	v14 =	vld [tilespmem:s11+$0x18F80];
	v0 =	vadd.f32 v1, v0  }
0x290: {  	v15 =	vld.idx.msk [tilespmem:v12+s4+$0x0], $0xffff  }
0x291: {  	v16 =	vld [tilespmem:s11+$0x19000];
	v0 =	vadd.f32 v2, v0  }
0x292: {  	v17 =	vld.idx.msk [tilespmem:v6+s4+$0x0], $0xffff  }
0x293: {  	v18 =	vld [tilespmem:s11+$0x19080];
	v0 =	vadd.f32 v13, v0  }
0x294: {  	v19 =	vld.idx.msk [tilespmem:v7+s4+$0x0], $0xffff  }
0x295: {  	v20 =	vld [tilespmem:s11+$0x19100];
	v0 =	vadd.f32 v15, v0  }
0x296: {  	v21 =	vld.idx.msk [tilespmem:v8+s4+$0x0], $0xffff  }
0x297: {  	v22 =	vld [tilespmem:s11+$0x19180];
	v0 =	vadd.f32 v17, v0  }
0x298: {  	v23 =	vld.idx.msk [tilespmem:v14+s4+$0x0], $0xffff  }
0x299: {  	v24 =	vld [tilespmem:s11+$0x19200];
	v0 =	vadd.f32 v19, v0  }
0x29a: {  	v25 =	vld.idx.msk [tilespmem:v16+s4+$0x0], $0xffff  }
0x29b: {  	v26 =	vld [tilespmem:s11+$0x19280];
	v0 =	vadd.f32 v21, v0  }
0x29c: {  	v27 =	vld.idx.msk [tilespmem:v18+s4+$0x0], $0xffff  }
0x29d: {  	v28 =	vld [tilespmem:s11+$0x19700];
	v0 =	vadd.f32 v23, v0  }
0x29e: {  	v29 =	vld.idx.msk [tilespmem:v20+s4+$0x0], $0xffff  }
0x29f: {  	v30 =	vld [tilespmem:s11+$0x19780];
	v0 =	vadd.f32 v25, v0  }
0x2a0: {  	v31 =	vld.idx.msk [tilespmem:v22+s4+$0x0], $0xffff  }
0x2a1: {  	v32 =	vld [tilespmem:s11+$0x19800];
	v0 =	vadd.f32 v27, v0  }
0x2a2: {  	v33 =	vld.idx.msk [tilespmem:v24+s4+$0x0], $0xffff  }
0x2a3: {  	v34 =	vld [tilespmem:s11+$0x19880];
	v0 =	vadd.f32 v29, v0  }
0x2a4: {  	v35 =	vld.idx.msk [tilespmem:v26+s4+$0x0], $0xffff  }
0x2a5: {  	v36 =	vld [tilespmem:s11+$0x19900];
	v0 =	vadd.f32 v31, v0  }
0x2a6: {  	v37 =	vld.idx.msk [tilespmem:v28+s4+$0x0], $0xffff  }
0x2a7: {  	v38 =	vld [tilespmem:s11+$0x19980];
	v0 =	vadd.f32 v33, v0  }
0x2a8: {  	v39 =	vld.idx.msk [tilespmem:v30+s4+$0x0], $0xffff  }
0x2a9: {  	v40 =	vld [tilespmem:s11+$0x19A00];
	v0 =	vadd.f32 v35, v0  }
0x2aa: {  	v41 =	vld.idx.msk [tilespmem:v32+s4+$0x0], $0xffff  }
0x2ab: {  	v42 =	vld [tilespmem:s11+$0x19A80];
	v0 =	vadd.f32 v37, v0  }
0x2ac: {  	v43 =	vld.idx.msk [tilespmem:v34+s4+$0x0], $0xffff  }
0x2ad: {  	v44 =	vld [tilespmem:s11+$0x19F00];
	v0 =	vadd.f32 v39, v0  }
0x2ae: {  	v45 =	vld.idx.msk [tilespmem:v36+s4+$0x0], $0xffff  }
0x2af: {  	v46 =	vld [tilespmem:s11+$0x19F80];
	v0 =	vadd.f32 v41, v0  }
0x2b0: {  	v47 =	vld.idx.msk [tilespmem:v38+s4+$0x0], $0xffff  }
0x2b1: {  	v48 =	vld [tilespmem:s11+$0x1A000];
	v0 =	vadd.f32 v43, v0  }
0x2b2: {  	v49 =	vld.idx.msk [tilespmem:v40+s4+$0x0], $0xffff  }
0x2b3: {  	v50 =	vld [tilespmem:s11+$0x1A080];
	v0 =	vadd.f32 v45, v0  }
0x2b4: {  	v51 =	vld.idx.msk [tilespmem:v42+s4+$0x0], $0xffff  }
0x2b5: {  	v52 =	vld [tilespmem:s11+$0x1A100];
	v0 =	vadd.f32 v47, v0  }
0x2b6: {  	v53 =	vld.idx.msk [tilespmem:v44+s4+$0x0], $0xffff  }
0x2b7: {  	v54 =	vld [tilespmem:s11+$0x1A180];
	v0 =	vadd.f32 v49, v0  }
0x2b8: {  	v55 =	vld.idx.msk [tilespmem:v46+s4+$0x0], $0xffff  }
0x2b9: {  	v56 =	vld [tilespmem:s11+$0x1A200];
	v0 =	vadd.f32 v51, v0  }
0x2ba: {  	v57 =	vld.idx.msk [tilespmem:v48+s4+$0x0], $0xffff  }
0x2bb: {  	v58 =	vld [tilespmem:s11+$0x1A280];
	v0 =	vadd.f32 v53, v0  }
0x2bc: {  	v59 =	vld.idx.msk [tilespmem:v50+s4+$0x0], $0xffff  }
0x2bd: {  	v0 =	vadd.f32 v55, v0  }
0x2be: {  	v60 =	vld.idx.msk [tilespmem:v52+s4+$0x0], $0xffff  }
0x2bf: {  	v0 =	vadd.f32 v57, v0  }
0x2c0: {  	v61 =	vld.idx.msk [tilespmem:v54+s4+$0x0], $0xffff  }
0x2c1: {  	v0 =	vadd.f32 v59, v0  }
0x2c2: {  	v62 =	vld.idx.msk [tilespmem:v56+s4+$0x0], $0xffff  }
0x2c3: {  	v0 =	vadd.f32 v60, v0  }
0x2c4: {  	v63 =	vld.idx.msk [tilespmem:v58+s4+$0x0], $0xffff  }
0x2c5: {  	v0 =	vadd.f32 v61, v0;
	_ =	sdelay $0x1  }
0x2c6: {  	v0 =	vadd.f32 v62, v0;
	_ =	sdelay $0x1  }
0x2c7: {  	v0 =	vadd.f32 v63, v0;
	_ =	sdelay $0x1  }
0x2c8: {  	s29 =	rddreg [dreg:$0x6];
	s1 =	simm.s32 $0x1D700;
	[tilespmem:s11+$0x1D700] =	vst v0  }
0x2c9: {  	[hbm4b:s29+s4] =	stream.linear.scatter [tilespmem:s1], [sflag:$0x3], $0x80, $0x38;
	[tilespmem:$0x1D780] =	vst v63  }
0x2ca: {  	_ =	swait.ge [sflag:s17], $0x80  }
0x2cb: {  	s30 =	rddreg [dreg:$0x8]  }
0x2cc: {  	s31 =	rddreg [dreg:$0x7];
	s1 =	sadd.s32 $0x1, s30  }
0x2cd: {  	p0 =	sne.s32 s1, s31  }
.Ltmp7:
0x2ce: {  	_ = 	snop;
	(pc) =	sbr.rel @p0 .LBB2_1-.Ltmp7, $3  }
0x2cf: {  	_ =	sdelay $0x1  }
0x2d0: {  	[sflag:s17] =	ssyncset.done $0x0  }
0x2d1: {  	[sflag:s17] =	ssyncadd.s32 $0xFFFFFF80  }
0x2d2: {  	_ =	sfence.sel $0x180000  }
0x2d3: {  	[bflag:$0x0] =	sbarrier.arrive $0xFFFF  }
0x2d4: {  	_ =	strace $0x90000047  }
0x2d5: {  	s0 =	stileid.u32;
	[bflag:$0x2] =	sbarrier.arrive $0xFFFF  }
0x2d6: {  	p0 =	sne.s32 s0, $0x0;
	s0 =	rddreg [dreg:$0x3]  }
0x2d7: {  	s0 =	sadd.s32 @!p0 $0x100000, s0  }
0x2d8: {  	[sflag:s0] =	ssyncadd.tile.s32 @!p0 $0x1;
	_ =	shalt  }
.Lfunc_end2:
_tile_overlayer_lowered:
.L_overlay_start_2:
0x2d9: {  	(tag) =	ssettag $0x2  }
0x2da: {  	s0 =	rddreg [dreg:$0x0];
	s2 =	stileid.u32  }
0x2db: {  	s1 =	rddreg [dreg:$0x1];
	p0 =	sne.s32 s2, $0x0  }
0x2dc: {  	s3 =	rddreg [dreg:$0x2];
	[bflag:$0x3] =	sbarrier.arrive $0xFFFF;
	s2 =	simm.s32 @!p0 $0x1C03  }
0x2dd: {  	[timem:s3], [sflag:s2] =	dma.local @!p0 [hbm:s0], s1  }
0x2de: {  	s0 =	simm.s32 @!p0 $0x3  }
0x2df: {  	_ =	swait.ge @!p0 [sflag:s0], s1  }
0x2e0: {  	s1 =	ssub.s32 @!p0 $0x0, s1;
	[sflag:s0] =	ssyncset.done @!p0 $0x0  }
0x2e1: {  	[sflag:s0] =	ssyncadd.s32 @!p0 s1  }
0x2e2: {  	[bflag:$0x3] =	sbarrier.arrive $0xFFFF  }
0x2e3: {  	_ =	shalt  }

</sc_bundles>
